<compile_context>
chip_gen: v7x
topology: tpu7x:2x2x1
jax: 0.10.2.dev20260603
libtpu: 0.0.44.dev20260713+nightly
codegen_flags: <defaults>
</compile_context>

<pallas_src>
import functools

import jax
import jax.numpy as jnp
from jax import lax
from jax.experimental import pallas as pl
from jax.experimental.pallas import tpu as pltpu
from jax.experimental.pallas import tpu_sc as plsc

NC = 2
NS = 16
CHUNK = 128


def _mesh():
    return plsc.VectorSubcoreMesh(
        core_axis_name="c", subcore_axis_name="s", num_cores=NC,
        num_subcores=NS)


def _ranged(fn, s, rows_pt, n):
    last = n - (NS - 1) * rows_pt
    pl.when(s != NS - 1)(functools.partial(fn, rows_pt))
    pl.when(s == NS - 1)(functools.partial(fn, last))


def _make_deg_kernel(n, np_rows, e_pad):
    n_chunks = e_pad // (NC * NS * CHUNK)
    rows_pt = np_rows // NS

    @functools.partial(
        pl.kernel,
        out_type=jax.ShapeDtypeStruct((NC, n, 128), jnp.float32),
        mesh=_mesh(),
        scratch_types=[
            pltpu.VMEM((n_chunks, CHUNK), jnp.int32),
            pltpu.VMEM((CHUNK, 128), jnp.float32),
            pltpu.VMEM_SHARED((np_rows, 128), jnp.float32),
        ],
    )
    def deg_k(dst3d, ones_hbm, zeros_hbm, out_hbm, didx, ones_v, acc):
        c = lax.axis_index("c")
        s = lax.axis_index("s")
        wid = s * NC + c
        r0 = s * rows_pt
        pltpu.sync_copy(dst3d.at[wid], didx)
        pltpu.sync_copy(ones_hbm, ones_v)

        def init(nr):
            pltpu.sync_copy(zeros_hbm.at[pl.ds(r0, nr), :],
                            acc.at[pl.ds(r0, nr), :])
        _ranged(init, s, rows_pt, n)
        plsc.subcore_barrier()

        def body(j, carry):
            pltpu.sync_copy(ones_v, acc.at[didx.at[j]], add=True)
            return carry
        lax.fori_loop(0, n_chunks, body, 0)
        plsc.subcore_barrier()

        def emit(nr):
            pltpu.sync_copy(acc.at[pl.ds(r0, nr), :],
                            out_hbm.at[c, pl.ds(r0, nr), :])
        _ranged(emit, s, rows_pt, n)

    return deg_k


def _make_scatter1(n, np_rows, e_pad, dh):
    n_chunks = e_pad // (NS * CHUNK)
    rows_pt = np_rows // NS

    @functools.partial(
        pl.kernel,
        out_type=jax.ShapeDtypeStruct((NC, n, dh), jnp.float32),
        mesh=_mesh(),
        scratch_types=[
            pltpu.VMEM((n_chunks, CHUNK), jnp.int32),
            pltpu.VMEM((n_chunks, CHUNK), jnp.int32),
            pltpu.VMEM((CHUNK, dh), jnp.float32),
            pltpu.VMEM_SHARED((np_rows, dh), jnp.float32),
            pltpu.SemaphoreType.DMA,
        ],
    )
    def sc1_k(src3d, dst3d, hs0, hs1, out_hbm, sidx, didx, rows_v, acc, sem):
        c = lax.axis_index("c")
        s = lax.axis_index("s")
        r0 = s * rows_pt
        pltpu.sync_copy(src3d.at[s], sidx)
        pltpu.sync_copy(dst3d.at[s], didx)

        def run(tab):
            def init(nr):
                pltpu.sync_copy(tab.at[pl.ds(r0, nr), :],
                                acc.at[pl.ds(r0, nr), :])
            _ranged(init, s, rows_pt, n)
            plsc.subcore_barrier()

            def body(j, carry):
                pltpu.async_copy(tab.at[sidx.at[j]], rows_v, sem).wait()
                pltpu.sync_copy(rows_v, acc.at[didx.at[j]], add=True)
                return carry
            lax.fori_loop(0, n_chunks, body, 0)

        pl.when(c == 0)(functools.partial(run, hs0))
        pl.when(c == 1)(functools.partial(run, hs1))
        plsc.subcore_barrier()

        def emit(nr):
            pltpu.sync_copy(acc.at[pl.ds(r0, nr), :],
                            out_hbm.at[c, pl.ds(r0, nr), :])
        _ranged(emit, s, rows_pt, n)

    return sc1_k


def _make_scatter2(n, np_rows, e_pad, ncls):
    n_chunks = e_pad // (NC * NS * CHUNK)
    rows_pt = np_rows // NS

    @functools.partial(
        pl.kernel,
        out_type=jax.ShapeDtypeStruct((NC, n, ncls), jnp.float32),
        mesh=_mesh(),
        scratch_types=[
            pltpu.VMEM((n_chunks, CHUNK), jnp.int32),
            pltpu.VMEM((n_chunks, CHUNK), jnp.int32),
            pltpu.VMEM((CHUNK, ncls), jnp.float32),
            pltpu.VMEM_SHARED((np_rows, ncls), jnp.float32),
            pltpu.SemaphoreType.DMA,
        ],
    )
    def sc2_k(src3d, dst3d, g2s, zeros_hbm, out_hbm,
              sidx, didx, rows_v, acc, sem):
        c = lax.axis_index("c")
        s = lax.axis_index("s")
        wid = s * NC + c
        r0 = s * rows_pt
        pltpu.sync_copy(src3d.at[wid], sidx)
        pltpu.sync_copy(dst3d.at[wid], didx)

        def init_from(tab, nr):
            pltpu.sync_copy(tab.at[pl.ds(r0, nr), :],
                            acc.at[pl.ds(r0, nr), :])
        pl.when(c == 0)(lambda: _ranged(
            functools.partial(init_from, g2s), s, rows_pt, n))
        pl.when(c == 1)(lambda: _ranged(
            functools.partial(init_from, zeros_hbm), s, rows_pt, n))
        plsc.subcore_barrier()

        def body(j, carry):
            pltpu.async_copy(g2s.at[sidx.at[j]], rows_v, sem).wait()
            pltpu.sync_copy(rows_v, acc.at[didx.at[j]], add=True)
            return carry
        lax.fori_loop(0, n_chunks, body, 0)
        plsc.subcore_barrier()

        def emit(nr):
            pltpu.sync_copy(acc.at[pl.ds(r0, nr), :],
                            out_hbm.at[c, pl.ds(r0, nr), :])
        _ranged(emit, s, rows_pt, n)

    return sc2_k


def _tc1_body(x_ref, w_ref, deg_ref, hs0_ref, hs1_ref, dinv_ref):
    deg = deg_ref[0, :, 0:1] + deg_ref[1, :, 0:1] + 1.0
    dinv = lax.rsqrt(deg)
    hs = jnp.dot(x_ref[:], w_ref[:], preferred_element_type=jnp.float32)
    hs = hs * dinv
    half = hs.shape[1] // 2
    hs0_ref[:] = hs[:, :half]
    hs1_ref[:] = hs[:, half:]
    dinv_ref[:] = dinv


def _tc2_body(agg_ref, dinv_ref, w2_ref, b1_ref, g_ref):
    dinv = dinv_ref[:]
    a = jnp.concatenate([agg_ref[0], agg_ref[1]], axis=1)
    out1 = jnp.maximum(a * dinv + b1_ref[:], 0.0)
    g = jnp.dot(out1, w2_ref[:], preferred_element_type=jnp.float32) * dinv
    ncls = g.shape[1]
    g_ref[:] = jnp.concatenate(
        [g, jnp.zeros((g.shape[0], 128 - ncls), jnp.float32)], axis=1)


def _tc3_body(p_ref, dinv_ref, b2_ref, out_ref):
    ncls = out_ref.shape[1]
    out_ref[:] = ((p_ref[0, :, :ncls] + p_ref[1, :, :ncls])
                  * dinv_ref[:] + b2_ref[:])


def kernel(x, edge_index, W1, b1, W2, b2):
    n, d = x.shape
    e = edge_index.shape[1]
    dh = W1.shape[1]
    ncls = W2.shape[1]
    half = dh // 2

    stride = NC * NS * CHUNK
    e_pad = -(-e // stride) * stride
    np_rows = -(-(n + 1) // (NS * 8)) * (NS * 8)

    src = edge_index[0]
    dst = edge_index[1]
    pe = e_pad - e
    src_p = jnp.concatenate([src, jnp.zeros((pe,), src.dtype)])
    dst_p = jnp.concatenate([dst, jnp.full((pe,), n, dst.dtype)])
    src32 = src_p.reshape(NC * NS, -1, CHUNK)
    dst32 = dst_p.reshape(NC * NS, -1, CHUNK)
    src16 = src_p.reshape(NS, -1, CHUNK)
    dst16 = dst_p.reshape(NS, -1, CHUNK)

    ones128 = jnp.ones((CHUNK, 128), jnp.float32)
    ncp = 128
    zeros128 = jnp.zeros((n, ncp), jnp.float32)

    degp = _make_deg_kernel(n, np_rows, e_pad)(dst32, ones128, zeros128)

    BR = 1000
    grid = (n // BR,)
    hs0, hs1, dinv = pl.pallas_call(
        _tc1_body,
        grid=grid,
        in_specs=[
            pl.BlockSpec((BR, d), lambda i: (i, 0)),
            pl.BlockSpec((d, dh), lambda i: (0, 0)),
            pl.BlockSpec((NC, BR, 128), lambda i: (0, i, 0)),
        ],
        out_specs=[
            pl.BlockSpec((BR, half), lambda i: (i, 0)),
            pl.BlockSpec((BR, half), lambda i: (i, 0)),
            pl.BlockSpec((BR, 1), lambda i: (i, 0)),
        ],
        out_shape=[
            jax.ShapeDtypeStruct((n, half), jnp.float32),
            jax.ShapeDtypeStruct((n, half), jnp.float32),
            jax.ShapeDtypeStruct((n, 1), jnp.float32),
        ],
    )(x, W1, degp)

    agg = _make_scatter1(n, np_rows, e_pad, half)(src16, dst16, hs0, hs1)

    g2s = pl.pallas_call(
        _tc2_body,
        grid=grid,
        in_specs=[
            pl.BlockSpec((NC, BR, half), lambda i: (0, i, 0)),
            pl.BlockSpec((BR, 1), lambda i: (i, 0)),
            pl.BlockSpec((dh, ncls), lambda i: (0, 0)),
            pl.BlockSpec((1, dh), lambda i: (0, 0)),
        ],
        out_specs=pl.BlockSpec((BR, ncp), lambda i: (i, 0)),
        out_shape=jax.ShapeDtypeStruct((n, ncp), jnp.float32),
    )(agg, dinv, W2, b1.reshape(1, dh))

    p2 = _make_scatter2(n, np_rows, e_pad, ncp)(src32, dst32, g2s, zeros128)

    out = pl.pallas_call(
        _tc3_body,
        grid=grid,
        in_specs=[
            pl.BlockSpec((NC, BR, ncp), lambda i: (0, i, 0)),
            pl.BlockSpec((BR, 1), lambda i: (i, 0)),
            pl.BlockSpec((1, ncls), lambda i: (0, 0)),
        ],
        out_specs=pl.BlockSpec((BR, ncls), lambda i: (i, 0)),
        out_shape=jax.ShapeDtypeStruct((n, ncls), jnp.float32),
    )(p2, dinv, b2.reshape(1, ncls))

    return out

# --- scband reference (transcript-rebuilt; emitter-appended) ---
"""Pipeline reference for scband-gnn-model-83365315215495 (READ-ONLY COPY).

The authoritative reference and input builder live on the scoring server;
editing this copy changes nothing except your own understanding.
"""

import jax, jax.numpy as jnp
import numpy as np

N = 10000
E = 160000
D_FEAT = 256
D_HID = 256
N_CLS = 64


def setup_inputs(seed: int = 0) -> dict:
    key = jax.random.key(seed)
    k1, k2, k3, k4 = jax.random.split(key, 4)
    x = jax.random.normal(k1, (N, D_FEAT), dtype=jnp.float32)
    edge_index = jax.random.randint(k2, (2, E), 0, N, dtype=jnp.int32)
    W1 = jax.random.normal(k3, (D_FEAT, D_HID), dtype=jnp.float32) * (1.0 / np.sqrt(D_FEAT))
    b1 = jnp.zeros((D_HID,), dtype=jnp.float32)
    W2 = jax.random.normal(k4, (D_HID, N_CLS), dtype=jnp.float32) * (1.0 / np.sqrt(D_HID))
    b2 = jnp.zeros((N_CLS,), dtype=jnp.float32)
    return {"x": x, "edge_index": edge_index, "W1": W1, "b1": b1, "W2": W2, "b2": b2}


def _gcn_layer(x, src, dst, W, b):
    # GCNConv: x' = D^{-1/2} (A + I) D^{-1/2} (X W) + b
    h = x @ W
    loop = jnp.arange(N, dtype=src.dtype)
    s = jnp.concatenate([src, loop])
    d = jnp.concatenate([dst, loop])
    deg = jax.ops.segment_sum(jnp.ones(s.shape[0], dtype=h.dtype), d, num_segments=N)
    dinv = jnp.where(deg > 0, 1.0 / jnp.sqrt(deg), 0.0)
    norm = dinv[s] * dinv[d]
    msg = h[s] * norm[:, None]
    agg = jax.ops.segment_sum(msg, d, num_segments=N)
    return agg + b


def reference(x, edge_index, W1, b1, W2, b2):
    src = edge_index[0]
    dst = edge_index[1]
    # layer 1 + ReLU (dropout is identity in eval mode)
    h = jax.nn.relu(_gcn_layer(x, src, dst, W1, b1))
    # final layer returns logits (logit=True path of GnnModel.forward)
    out = _gcn_layer(h, src, dst, W2, b2)
    return out

if __name__ == "__main__":
    import jax
    _d = setup_inputs()
    print(jax.jit(kernel)(*tuple(_d.values())))

</pallas_src>

<mosaic_0001>
#map = affine_map<(d0, d1) -> (0, 0, 0)>
#map1 = affine_map<(d0, d1) -> (0, 0)>
module attributes {stable_mosaic.version = 14 : i64} {
  func.func @sc2_k(%arg0: i32, %arg1: i32, %arg2: memref<32x40x128xi32, #tpu.memory_space<hbm>>, %arg3: memref<32x40x128xi32, #tpu.memory_space<hbm>>, %arg4: memref<10000x128xf32, #tpu.memory_space<hbm>>, %arg5: memref<10000x128xf32, #tpu.memory_space<hbm>>, %arg6: memref<2x10000x128xf32, #tpu.memory_space<hbm>>, %arg7: memref<40x128xi32, #tpu.memory_space<vmem>>, %arg8: memref<40x128xi32, #tpu.memory_space<vmem>>, %arg9: memref<128x128xf32, #tpu.memory_space<vmem>>, %arg10: memref<10112x128xf32, #tpu.memory_space<vmem_shared>>, %arg11: memref<!tpu.dma_semaphore, #tpu.memory_space<semaphore_mem>>) attributes {dimension_semantics = [#tpu.dimension_semantics<core_parallel>, #tpu.dimension_semantics<subcore_parallel>], iteration_bounds = array<i64: 2, 16>, scalar_prefetch = 0 : i64, scratch_operands = 5 : i64, tpu.core_type = #tpu.core_type<sc_vector_subcore>, window_params = [{transform_indices = #map}, {transform_indices = #map}, {transform_indices = #map1}, {transform_indices = #map1}, {transform_indices = #map}]} {
    %mul3A = arith.constant 2 : i32
    %mul3A_0 = arith.muli %arg1, %mul3A : i32
    %add3A = arith.addi %mul3A_0, %arg0 : i32
    %mul3A_1 = arith.constant 632 : i32
    %mul3A_2 = arith.muli %arg1, %mul3A_1 : i32
    "tpu.region"() ({
      %run_scoped3A = tpu.sem_alloc : memref<!tpu.dma_semaphore, #tpu.memory_space<semaphore_mem>>
      %dma_start3A = arith.constant 0 : i32
      %dma_start3A_25 = arith.constant 0 : i32
      %dma_start3A_26 = tpu.memref_slice %arg2[%add3A, %dma_start3A, %dma_start3A_25] : memref<32x40x128xi32, #tpu.memory_space<hbm>> -> memref<1x40x128xi32, #tpu.memory_space<hbm>>
      %dma_start3A_27 = tpu.memref_squeeze %dma_start3A_26 : memref<1x40x128xi32, #tpu.memory_space<hbm>> -> memref<40x128xi32, #tpu.memory_space<hbm>>
      %dma_start3A_28 = arith.constant 0 : i32
      %dma_start3A_29 = arith.constant 0 : i32
      %dma_start3A_30 = tpu.memref_slice %arg2[%add3A, %dma_start3A_28, %dma_start3A_29] : memref<32x40x128xi32, #tpu.memory_space<hbm>> -> memref<1x40x128xi32, #tpu.memory_space<hbm>>
      %dma_start3A_31 = tpu.memref_squeeze %dma_start3A_30 : memref<1x40x128xi32, #tpu.memory_space<hbm>> -> memref<40x128xi32, #tpu.memory_space<hbm>>
      tpu.enqueue_dma source(%dma_start3A_31 : memref<40x128xi32, #tpu.memory_space<hbm>>) target(%arg7 : memref<40x128xi32, #tpu.memory_space<vmem>>) target_semaphore(%run_scoped3A : memref<!tpu.dma_semaphore, #tpu.memory_space<semaphore_mem>>)
      %dma_wait3A = arith.constant 0 : i32
      %dma_wait3A_32 = arith.constant 0 : i32
      %dma_wait3A_33 = tpu.memref_slice %arg2[%add3A, %dma_wait3A, %dma_wait3A_32] : memref<32x40x128xi32, #tpu.memory_space<hbm>> -> memref<1x40x128xi32, #tpu.memory_space<hbm>>
      %dma_wait3A_34 = tpu.memref_squeeze %dma_wait3A_33 : memref<1x40x128xi32, #tpu.memory_space<hbm>> -> memref<40x128xi32, #tpu.memory_space<hbm>>
      %dma_wait3A_35 = arith.constant 0 : i32
      %dma_wait3A_36 = arith.constant 0 : i32
      %dma_wait3A_37 = tpu.memref_slice %arg2[%add3A, %dma_wait3A_35, %dma_wait3A_36] : memref<32x40x128xi32, #tpu.memory_space<hbm>> -> memref<1x40x128xi32, #tpu.memory_space<hbm>>
      %dma_wait3A_38 = tpu.memref_squeeze %dma_wait3A_37 : memref<1x40x128xi32, #tpu.memory_space<hbm>> -> memref<40x128xi32, #tpu.memory_space<hbm>>
      tpu.wait_dma2 semaphore(%run_scoped3A : memref<!tpu.dma_semaphore, #tpu.memory_space<semaphore_mem>>) src(%dma_wait3A_38 : memref<40x128xi32, #tpu.memory_space<hbm>>) dst(%arg7 : memref<40x128xi32, #tpu.memory_space<vmem>>)
      tpu.yield
    }) : () -> ()
    "tpu.region"() ({
      %run_scoped3A = tpu.sem_alloc : memref<!tpu.dma_semaphore, #tpu.memory_space<semaphore_mem>>
      %dma_start3A = arith.constant 0 : i32
      %dma_start3A_25 = arith.constant 0 : i32
      %dma_start3A_26 = tpu.memref_slice %arg3[%add3A, %dma_start3A, %dma_start3A_25] : memref<32x40x128xi32, #tpu.memory_space<hbm>> -> memref<1x40x128xi32, #tpu.memory_space<hbm>>
      %dma_start3A_27 = tpu.memref_squeeze %dma_start3A_26 : memref<1x40x128xi32, #tpu.memory_space<hbm>> -> memref<40x128xi32, #tpu.memory_space<hbm>>
      %dma_start3A_28 = arith.constant 0 : i32
      %dma_start3A_29 = arith.constant 0 : i32
      %dma_start3A_30 = tpu.memref_slice %arg3[%add3A, %dma_start3A_28, %dma_start3A_29] : memref<32x40x128xi32, #tpu.memory_space<hbm>> -> memref<1x40x128xi32, #tpu.memory_space<hbm>>
      %dma_start3A_31 = tpu.memref_squeeze %dma_start3A_30 : memref<1x40x128xi32, #tpu.memory_space<hbm>> -> memref<40x128xi32, #tpu.memory_space<hbm>>
      tpu.enqueue_dma source(%dma_start3A_31 : memref<40x128xi32, #tpu.memory_space<hbm>>) target(%arg8 : memref<40x128xi32, #tpu.memory_space<vmem>>) target_semaphore(%run_scoped3A : memref<!tpu.dma_semaphore, #tpu.memory_space<semaphore_mem>>)
      %dma_wait3A = arith.constant 0 : i32
      %dma_wait3A_32 = arith.constant 0 : i32
      %dma_wait3A_33 = tpu.memref_slice %arg3[%add3A, %dma_wait3A, %dma_wait3A_32] : memref<32x40x128xi32, #tpu.memory_space<hbm>> -> memref<1x40x128xi32, #tpu.memory_space<hbm>>
      %dma_wait3A_34 = tpu.memref_squeeze %dma_wait3A_33 : memref<1x40x128xi32, #tpu.memory_space<hbm>> -> memref<40x128xi32, #tpu.memory_space<hbm>>
      %dma_wait3A_35 = arith.constant 0 : i32
      %dma_wait3A_36 = arith.constant 0 : i32
      %dma_wait3A_37 = tpu.memref_slice %arg3[%add3A, %dma_wait3A_35, %dma_wait3A_36] : memref<32x40x128xi32, #tpu.memory_space<hbm>> -> memref<1x40x128xi32, #tpu.memory_space<hbm>>
      %dma_wait3A_38 = tpu.memref_squeeze %dma_wait3A_37 : memref<1x40x128xi32, #tpu.memory_space<hbm>> -> memref<40x128xi32, #tpu.memory_space<hbm>>
      tpu.wait_dma2 semaphore(%run_scoped3A : memref<!tpu.dma_semaphore, #tpu.memory_space<semaphore_mem>>) src(%dma_wait3A_38 : memref<40x128xi32, #tpu.memory_space<hbm>>) dst(%arg8 : memref<40x128xi32, #tpu.memory_space<vmem>>)
      tpu.yield
    }) : () -> ()
    %eq3A = arith.constant 0 : i32
    %eq3A_3 = arith.cmpi eq, %arg0, %eq3A : i32
    %convert_element_type3A = arith.extui %eq3A_3 : i1 to i32
    %cond3A = arith.constant 0 : i32
    %cond3A_4 = arith.cmpi ne, %convert_element_type3A, %cond3A : i32
    scf.if %cond3A_4 {
      %ne3A_25 = arith.constant 15 : i32
      %ne3A_26 = arith.cmpi ne, %arg1, %ne3A_25 : i32
      %convert_element_type3A_27 = arith.extui %ne3A_26 : i1 to i32
      %cond3A_28 = arith.constant 0 : i32
      %cond3A_29 = arith.cmpi ne, %convert_element_type3A_27, %cond3A_28 : i32
      scf.if %cond3A_29 {
        "tpu.region"() ({
          %run_scoped3A = tpu.sem_alloc : memref<!tpu.dma_semaphore, #tpu.memory_space<semaphore_mem>>
          %dma_start3A = arith.constant 0 : i32
          %dma_start3A_35 = tpu.memref_slice %arg10[%mul3A_2, %dma_start3A] : memref<10112x128xf32, #tpu.memory_space<vmem_shared>> -> memref<632x128xf32, #tpu.memory_space<vmem_shared>>
          %dma_start3A_36 = arith.constant 0 : i32
          %dma_start3A_37 = tpu.memref_slice %arg4[%mul3A_2, %dma_start3A_36] : memref<10000x128xf32, #tpu.memory_space<hbm>> -> memref<632x128xf32, #tpu.memory_space<hbm>>
          tpu.enqueue_dma source(%dma_start3A_37 : memref<632x128xf32, #tpu.memory_space<hbm>>) target(%dma_start3A_35 : memref<632x128xf32, #tpu.memory_space<vmem_shared>>) target_semaphore(%run_scoped3A : memref<!tpu.dma_semaphore, #tpu.memory_space<semaphore_mem>>)
          %dma_wait3A = arith.constant 0 : i32
          %dma_wait3A_38 = tpu.memref_slice %arg10[%mul3A_2, %dma_wait3A] : memref<10112x128xf32, #tpu.memory_space<vmem_shared>> -> memref<632x128xf32, #tpu.memory_space<vmem_shared>>
          %dma_wait3A_39 = arith.constant 0 : i32
          %dma_wait3A_40 = tpu.memref_slice %arg4[%mul3A_2, %dma_wait3A_39] : memref<10000x128xf32, #tpu.memory_space<hbm>> -> memref<632x128xf32, #tpu.memory_space<hbm>>
          tpu.wait_dma2 semaphore(%run_scoped3A : memref<!tpu.dma_semaphore, #tpu.memory_space<semaphore_mem>>) src(%dma_wait3A_40 : memref<632x128xf32, #tpu.memory_space<hbm>>) dst(%dma_wait3A_38 : memref<632x128xf32, #tpu.memory_space<vmem_shared>>)
          tpu.yield
        }) : () -> ()
      } else {
      }
      %eq3A_30 = arith.constant 15 : i32
      %eq3A_31 = arith.cmpi eq, %arg1, %eq3A_30 : i32
      %convert_element_type3A_32 = arith.extui %eq3A_31 : i1 to i32
      %cond3A_33 = arith.constant 0 : i32
      %cond3A_34 = arith.cmpi ne, %convert_element_type3A_32, %cond3A_33 : i32
      scf.if %cond3A_34 {
        "tpu.region"() ({
          %run_scoped3A = tpu.sem_alloc : memref<!tpu.dma_semaphore, #tpu.memory_space<semaphore_mem>>
          %dma_start3A = arith.constant 0 : i32
          %dma_start3A_35 = tpu.memref_slice %arg10[%mul3A_2, %dma_start3A] : memref<10112x128xf32, #tpu.memory_space<vmem_shared>> -> memref<520x128xf32, #tpu.memory_space<vmem_shared>>
          %dma_start3A_36 = arith.constant 0 : i32
          %dma_start3A_37 = tpu.memref_slice %arg4[%mul3A_2, %dma_start3A_36] : memref<10000x128xf32, #tpu.memory_space<hbm>> -> memref<520x128xf32, #tpu.memory_space<hbm>>
          tpu.enqueue_dma source(%dma_start3A_37 : memref<520x128xf32, #tpu.memory_space<hbm>>) target(%dma_start3A_35 : memref<520x128xf32, #tpu.memory_space<vmem_shared>>) target_semaphore(%run_scoped3A : memref<!tpu.dma_semaphore, #tpu.memory_space<semaphore_mem>>)
          %dma_wait3A = arith.constant 0 : i32
          %dma_wait3A_38 = tpu.memref_slice %arg10[%mul3A_2, %dma_wait3A] : memref<10112x128xf32, #tpu.memory_space<vmem_shared>> -> memref<520x128xf32, #tpu.memory_space<vmem_shared>>
          %dma_wait3A_39 = arith.constant 0 : i32
          %dma_wait3A_40 = tpu.memref_slice %arg4[%mul3A_2, %dma_wait3A_39] : memref<10000x128xf32, #tpu.memory_space<hbm>> -> memref<520x128xf32, #tpu.memory_space<hbm>>
          tpu.wait_dma2 semaphore(%run_scoped3A : memref<!tpu.dma_semaphore, #tpu.memory_space<semaphore_mem>>) src(%dma_wait3A_40 : memref<520x128xf32, #tpu.memory_space<hbm>>) dst(%dma_wait3A_38 : memref<520x128xf32, #tpu.memory_space<vmem_shared>>)
          tpu.yield
        }) : () -> ()
      } else {
      }
    } else {
    }
    %eq3A_5 = arith.constant 1 : i32
    %eq3A_6 = arith.cmpi eq, %arg0, %eq3A_5 : i32
    %convert_element_type3A_7 = arith.extui %eq3A_6 : i1 to i32
    %cond3A_8 = arith.constant 0 : i32
    %cond3A_9 = arith.cmpi ne, %convert_element_type3A_7, %cond3A_8 : i32
    scf.if %cond3A_9 {
      %ne3A_25 = arith.constant 15 : i32
      %ne3A_26 = arith.cmpi ne, %arg1, %ne3A_25 : i32
      %convert_element_type3A_27 = arith.extui %ne3A_26 : i1 to i32
      %cond3A_28 = arith.constant 0 : i32
      %cond3A_29 = arith.cmpi ne, %convert_element_type3A_27, %cond3A_28 : i32
      scf.if %cond3A_29 {
        "tpu.region"() ({
          %run_scoped3A = tpu.sem_alloc : memref<!tpu.dma_semaphore, #tpu.memory_space<semaphore_mem>>
          %dma_start3A = arith.constant 0 : i32
          %dma_start3A_35 = tpu.memref_slice %arg10[%mul3A_2, %dma_start3A] : memref<10112x128xf32, #tpu.memory_space<vmem_shared>> -> memref<632x128xf32, #tpu.memory_space<vmem_shared>>
          %dma_start3A_36 = arith.constant 0 : i32
          %dma_start3A_37 = tpu.memref_slice %arg5[%mul3A_2, %dma_start3A_36] : memref<10000x128xf32, #tpu.memory_space<hbm>> -> memref<632x128xf32, #tpu.memory_space<hbm>>
          tpu.enqueue_dma source(%dma_start3A_37 : memref<632x128xf32, #tpu.memory_space<hbm>>) target(%dma_start3A_35 : memref<632x128xf32, #tpu.memory_space<vmem_shared>>) target_semaphore(%run_scoped3A : memref<!tpu.dma_semaphore, #tpu.memory_space<semaphore_mem>>)
          %dma_wait3A = arith.constant 0 : i32
          %dma_wait3A_38 = tpu.memref_slice %arg10[%mul3A_2, %dma_wait3A] : memref<10112x128xf32, #tpu.memory_space<vmem_shared>> -> memref<632x128xf32, #tpu.memory_space<vmem_shared>>
          %dma_wait3A_39 = arith.constant 0 : i32
          %dma_wait3A_40 = tpu.memref_slice %arg5[%mul3A_2, %dma_wait3A_39] : memref<10000x128xf32, #tpu.memory_space<hbm>> -> memref<632x128xf32, #tpu.memory_space<hbm>>
          tpu.wait_dma2 semaphore(%run_scoped3A : memref<!tpu.dma_semaphore, #tpu.memory_space<semaphore_mem>>) src(%dma_wait3A_40 : memref<632x128xf32, #tpu.memory_space<hbm>>) dst(%dma_wait3A_38 : memref<632x128xf32, #tpu.memory_space<vmem_shared>>)
          tpu.yield
        }) : () -> ()
      } else {
      }
      %eq3A_30 = arith.constant 15 : i32
      %eq3A_31 = arith.cmpi eq, %arg1, %eq3A_30 : i32
      %convert_element_type3A_32 = arith.extui %eq3A_31 : i1 to i32
      %cond3A_33 = arith.constant 0 : i32
      %cond3A_34 = arith.cmpi ne, %convert_element_type3A_32, %cond3A_33 : i32
      scf.if %cond3A_34 {
        "tpu.region"() ({
          %run_scoped3A = tpu.sem_alloc : memref<!tpu.dma_semaphore, #tpu.memory_space<semaphore_mem>>
          %dma_start3A = arith.constant 0 : i32
          %dma_start3A_35 = tpu.memref_slice %arg10[%mul3A_2, %dma_start3A] : memref<10112x128xf32, #tpu.memory_space<vmem_shared>> -> memref<520x128xf32, #tpu.memory_space<vmem_shared>>
          %dma_start3A_36 = arith.constant 0 : i32
          %dma_start3A_37 = tpu.memref_slice %arg5[%mul3A_2, %dma_start3A_36] : memref<10000x128xf32, #tpu.memory_space<hbm>> -> memref<520x128xf32, #tpu.memory_space<hbm>>
          tpu.enqueue_dma source(%dma_start3A_37 : memref<520x128xf32, #tpu.memory_space<hbm>>) target(%dma_start3A_35 : memref<520x128xf32, #tpu.memory_space<vmem_shared>>) target_semaphore(%run_scoped3A : memref<!tpu.dma_semaphore, #tpu.memory_space<semaphore_mem>>)
          %dma_wait3A = arith.constant 0 : i32
          %dma_wait3A_38 = tpu.memref_slice %arg10[%mul3A_2, %dma_wait3A] : memref<10112x128xf32, #tpu.memory_space<vmem_shared>> -> memref<520x128xf32, #tpu.memory_space<vmem_shared>>
          %dma_wait3A_39 = arith.constant 0 : i32
          %dma_wait3A_40 = tpu.memref_slice %arg5[%mul3A_2, %dma_wait3A_39] : memref<10000x128xf32, #tpu.memory_space<hbm>> -> memref<520x128xf32, #tpu.memory_space<hbm>>
          tpu.wait_dma2 semaphore(%run_scoped3A : memref<!tpu.dma_semaphore, #tpu.memory_space<semaphore_mem>>) src(%dma_wait3A_40 : memref<520x128xf32, #tpu.memory_space<hbm>>) dst(%dma_wait3A_38 : memref<520x128xf32, #tpu.memory_space<vmem_shared>>)
          tpu.yield
        }) : () -> ()
      } else {
      }
    } else {
    }
    %barrier3A = arith.constant 0 : index
    tpu.barrier barrier_id(%barrier3A)
    %scan3A = arith.constant 0 : i32
    %scan3A_10 = arith.constant 0 : i32
    %scan3A_11 = arith.constant 40 : i32
    %scan3A_12 = arith.addi %scan3A_10, %scan3A_11 : i32
    %scan3A_13 = arith.constant 1 : i32
    scf.for %scan3A_25 = %scan3A_10 to %scan3A_12 step %scan3A_13  : i32 {
      %dma_start3A = arith.constant 0 : i32
      %dma_start3A_26 = tpu.memref_slice %arg7[%scan3A_25, %dma_start3A] : memref<40x128xi32, #tpu.memory_space<vmem>> -> memref<1x128xi32, #tpu.memory_space<vmem>>
      %dma_start3A_27 = tpu.memref_squeeze %dma_start3A_26 : memref<1x128xi32, #tpu.memory_space<vmem>> -> memref<128xi32, #tpu.memory_space<vmem>>
      %dma_start3A_28 = arith.constant 0 : i32
      %dma_start3A_29 = arith.constant 0 : i32
      %dma_start3A_30 = tpu.memref_slice %arg4[%dma_start3A_28, %dma_start3A_29] : memref<10000x128xf32, #tpu.memory_space<hbm>> -> memref<10000x128xf32, #tpu.memory_space<hbm>>
      tpu.enqueue_indirect_dma source(%dma_start3A_30 : memref<10000x128xf32, #tpu.memory_space<hbm>>) target(%arg9 : memref<128x128xf32, #tpu.memory_space<vmem>>) offsets(%dma_start3A_27 : memref<128xi32, #tpu.memory_space<vmem>>) semaphore(%arg11 : memref<!tpu.dma_semaphore, #tpu.memory_space<semaphore_mem>>)
      %dma_wait3A = arith.constant 0 : i32
      %dma_wait3A_31 = tpu.memref_slice %arg7[%scan3A_25, %dma_wait3A] : memref<40x128xi32, #tpu.memory_space<vmem>> -> memref<1x128xi32, #tpu.memory_space<vmem>>
      %dma_wait3A_32 = tpu.memref_squeeze %dma_wait3A_31 : memref<1x128xi32, #tpu.memory_space<vmem>> -> memref<128xi32, #tpu.memory_space<vmem>>
      %dma_wait3A_33 = arith.constant 0 : i32
      %dma_wait3A_34 = arith.constant 0 : i32
      %dma_wait3A_35 = tpu.memref_slice %arg4[%dma_wait3A_33, %dma_wait3A_34] : memref<10000x128xf32, #tpu.memory_space<hbm>> -> memref<10000x128xf32, #tpu.memory_space<hbm>>
      tpu.wait_indirect_dma semaphore(%arg11 : memref<!tpu.dma_semaphore, #tpu.memory_space<semaphore_mem>>) src(%dma_wait3A_35 : memref<10000x128xf32, #tpu.memory_space<hbm>>) dst(%arg9 : memref<128x128xf32, #tpu.memory_space<vmem>>)
      "tpu.region"() ({
        %run_scoped3A = tpu.sem_alloc : memref<!tpu.dma_semaphore, #tpu.memory_space<semaphore_mem>>
        %dma_start3A_36 = arith.constant 0 : i32
        %dma_start3A_37 = tpu.memref_slice %arg8[%scan3A_25, %dma_start3A_36] : memref<40x128xi32, #tpu.memory_space<vmem>> -> memref<1x128xi32, #tpu.memory_space<vmem>>
        %dma_start3A_38 = tpu.memref_squeeze %dma_start3A_37 : memref<1x128xi32, #tpu.memory_space<vmem>> -> memref<128xi32, #tpu.memory_space<vmem>>
        %dma_start3A_39 = arith.constant 0 : i32
        %dma_start3A_40 = arith.constant 0 : i32
        %dma_start3A_41 = tpu.memref_slice %arg10[%dma_start3A_39, %dma_start3A_40] : memref<10112x128xf32, #tpu.memory_space<vmem_shared>> -> memref<10112x128xf32, #tpu.memory_space<vmem_shared>>
        tpu.enqueue_indirect_dma source(%arg9 : memref<128x128xf32, #tpu.memory_space<vmem>>) target(%dma_start3A_41 : memref<10112x128xf32, #tpu.memory_space<vmem_shared>>) offsets(%dma_start3A_38 : memref<128xi32, #tpu.memory_space<vmem>>) semaphore(%run_scoped3A : memref<!tpu.dma_semaphore, #tpu.memory_space<semaphore_mem>>) {add = true}
        %dma_wait3A_42 = arith.constant 0 : i32
        %dma_wait3A_43 = tpu.memref_slice %arg8[%scan3A_25, %dma_wait3A_42] : memref<40x128xi32, #tpu.memory_space<vmem>> -> memref<1x128xi32, #tpu.memory_space<vmem>>
        %dma_wait3A_44 = tpu.memref_squeeze %dma_wait3A_43 : memref<1x128xi32, #tpu.memory_space<vmem>> -> memref<128xi32, #tpu.memory_space<vmem>>
        %dma_wait3A_45 = arith.constant 0 : i32
        %dma_wait3A_46 = arith.constant 0 : i32
        %dma_wait3A_47 = tpu.memref_slice %arg10[%dma_wait3A_45, %dma_wait3A_46] : memref<10112x128xf32, #tpu.memory_space<vmem_shared>> -> memref<10112x128xf32, #tpu.memory_space<vmem_shared>>
        tpu.wait_indirect_dma semaphore(%run_scoped3A : memref<!tpu.dma_semaphore, #tpu.memory_space<semaphore_mem>>) src(%arg9 : memref<128x128xf32, #tpu.memory_space<vmem>>) dst(%dma_wait3A_47 : memref<10112x128xf32, #tpu.memory_space<vmem_shared>>)
        tpu.yield
      }) : () -> ()
    }
    %scan3A_14 = arith.constant 40 : i32
    %barrier3A_15 = arith.constant 0 : index
    tpu.barrier barrier_id(%barrier3A_15)
    %ne3A = arith.constant 15 : i32
    %ne3A_16 = arith.cmpi ne, %arg1, %ne3A : i32
    %convert_element_type3A_17 = arith.extui %ne3A_16 : i1 to i32
    %cond3A_18 = arith.constant 0 : i32
    %cond3A_19 = arith.cmpi ne, %convert_element_type3A_17, %cond3A_18 : i32
    scf.if %cond3A_19 {
      "tpu.region"() ({
        %run_scoped3A = tpu.sem_alloc : memref<!tpu.dma_semaphore, #tpu.memory_space<semaphore_mem>>
        %dma_start3A = arith.constant 0 : i32
        %dma_start3A_25 = tpu.memref_slice %arg6[%arg0, %mul3A_2, %dma_start3A] : memref<2x10000x128xf32, #tpu.memory_space<hbm>> -> memref<1x632x128xf32, #tpu.memory_space<hbm>>
        %dma_start3A_26 = tpu.memref_squeeze %dma_start3A_25 : memref<1x632x128xf32, #tpu.memory_space<hbm>> -> memref<632x128xf32, #tpu.memory_space<hbm>>
        %dma_start3A_27 = arith.constant 0 : i32
        %dma_start3A_28 = tpu.memref_slice %arg10[%mul3A_2, %dma_start3A_27] : memref<10112x128xf32, #tpu.memory_space<vmem_shared>> -> memref<632x128xf32, #tpu.memory_space<vmem_shared>>
        tpu.enqueue_dma source(%dma_start3A_28 : memref<632x128xf32, #tpu.memory_space<vmem_shared>>) target(%dma_start3A_26 : memref<632x128xf32, #tpu.memory_space<hbm>>) target_semaphore(%run_scoped3A : memref<!tpu.dma_semaphore, #tpu.memory_space<semaphore_mem>>)
        %dma_wait3A = arith.constant 0 : i32
        %dma_wait3A_29 = tpu.memref_slice %arg6[%arg0, %mul3A_2, %dma_wait3A] : memref<2x10000x128xf32, #tpu.memory_space<hbm>> -> memref<1x632x128xf32, #tpu.memory_space<hbm>>
        %dma_wait3A_30 = tpu.memref_squeeze %dma_wait3A_29 : memref<1x632x128xf32, #tpu.memory_space<hbm>> -> memref<632x128xf32, #tpu.memory_space<hbm>>
        %dma_wait3A_31 = arith.constant 0 : i32
        %dma_wait3A_32 = tpu.memref_slice %arg10[%mul3A_2, %dma_wait3A_31] : memref<10112x128xf32, #tpu.memory_space<vmem_shared>> -> memref<632x128xf32, #tpu.memory_space<vmem_shared>>
        tpu.wait_dma2 semaphore(%run_scoped3A : memref<!tpu.dma_semaphore, #tpu.memory_space<semaphore_mem>>) src(%dma_wait3A_32 : memref<632x128xf32, #tpu.memory_space<vmem_shared>>) dst(%dma_wait3A_30 : memref<632x128xf32, #tpu.memory_space<hbm>>)
        tpu.yield
      }) : () -> ()
    } else {
    }
    %eq3A_20 = arith.constant 15 : i32
    %eq3A_21 = arith.cmpi eq, %arg1, %eq3A_20 : i32
    %convert_element_type3A_22 = arith.extui %eq3A_21 : i1 to i32
    %cond3A_23 = arith.constant 0 : i32
    %cond3A_24 = arith.cmpi ne, %convert_element_type3A_22, %cond3A_23 : i32
    scf.if %cond3A_24 {
      "tpu.region"() ({
        %run_scoped3A = tpu.sem_alloc : memref<!tpu.dma_semaphore, #tpu.memory_space<semaphore_mem>>
        %dma_start3A = arith.constant 0 : i32
        %dma_start3A_25 = tpu.memref_slice %arg6[%arg0, %mul3A_2, %dma_start3A] : memref<2x10000x128xf32, #tpu.memory_space<hbm>> -> memref<1x520x128xf32, #tpu.memory_space<hbm>>
        %dma_start3A_26 = tpu.memref_squeeze %dma_start3A_25 : memref<1x520x128xf32, #tpu.memory_space<hbm>> -> memref<520x128xf32, #tpu.memory_space<hbm>>
        %dma_start3A_27 = arith.constant 0 : i32
        %dma_start3A_28 = tpu.memref_slice %arg10[%mul3A_2, %dma_start3A_27] : memref<10112x128xf32, #tpu.memory_space<vmem_shared>> -> memref<520x128xf32, #tpu.memory_space<vmem_shared>>
        tpu.enqueue_dma source(%dma_start3A_28 : memref<520x128xf32, #tpu.memory_space<vmem_shared>>) target(%dma_start3A_26 : memref<520x128xf32, #tpu.memory_space<hbm>>) target_semaphore(%run_scoped3A : memref<!tpu.dma_semaphore, #tpu.memory_space<semaphore_mem>>)
        %dma_wait3A = arith.constant 0 : i32
        %dma_wait3A_29 = tpu.memref_slice %arg6[%arg0, %mul3A_2, %dma_wait3A] : memref<2x10000x128xf32, #tpu.memory_space<hbm>> -> memref<1x520x128xf32, #tpu.memory_space<hbm>>
        %dma_wait3A_30 = tpu.memref_squeeze %dma_wait3A_29 : memref<1x520x128xf32, #tpu.memory_space<hbm>> -> memref<520x128xf32, #tpu.memory_space<hbm>>
        %dma_wait3A_31 = arith.constant 0 : i32
        %dma_wait3A_32 = tpu.memref_slice %arg10[%mul3A_2, %dma_wait3A_31] : memref<10112x128xf32, #tpu.memory_space<vmem_shared>> -> memref<520x128xf32, #tpu.memory_space<vmem_shared>>
        tpu.wait_dma2 semaphore(%run_scoped3A : memref<!tpu.dma_semaphore, #tpu.memory_space<semaphore_mem>>) src(%dma_wait3A_32 : memref<520x128xf32, #tpu.memory_space<vmem_shared>>) dst(%dma_wait3A_30 : memref<520x128xf32, #tpu.memory_space<hbm>>)
        tpu.yield
      }) : () -> ()
    } else {
    }
    return
  }
}

#map = affine_map<(d0, d1) -> (0, 0, 0)>
#map1 = affine_map<(d0, d1) -> (0, 0)>
module attributes {stable_mosaic.version = 14 : i64} {
  func.func @deg_k(%arg0: i32, %arg1: i32, %arg2: memref<32x40x128xi32, #tpu.memory_space<hbm>>, %arg3: memref<128x128xf32, #tpu.memory_space<hbm>>, %arg4: memref<10000x128xf32, #tpu.memory_space<hbm>>, %arg5: memref<2x10000x128xf32, #tpu.memory_space<hbm>>, %arg6: memref<40x128xi32, #tpu.memory_space<vmem>>, %arg7: memref<128x128xf32, #tpu.memory_space<vmem>>, %arg8: memref<10112x128xf32, #tpu.memory_space<vmem_shared>>) attributes {dimension_semantics = [#tpu.dimension_semantics<core_parallel>, #tpu.dimension_semantics<subcore_parallel>], iteration_bounds = array<i64: 2, 16>, scalar_prefetch = 0 : i64, scratch_operands = 3 : i64, tpu.core_type = #tpu.core_type<sc_vector_subcore>, window_params = [{transform_indices = #map}, {transform_indices = #map1}, {transform_indices = #map1}, {transform_indices = #map}]} {
    %mul3A = arith.constant 2 : i32
    %mul3A_0 = arith.muli %arg1, %mul3A : i32
    %add3A = arith.addi %mul3A_0, %arg0 : i32
    %mul3A_1 = arith.constant 632 : i32
    %mul3A_2 = arith.muli %arg1, %mul3A_1 : i32
    "tpu.region"() ({
      %run_scoped3A = tpu.sem_alloc : memref<!tpu.dma_semaphore, #tpu.memory_space<semaphore_mem>>
      %dma_start3A = arith.constant 0 : i32
      %dma_start3A_25 = arith.constant 0 : i32
      %dma_start3A_26 = tpu.memref_slice %arg2[%add3A, %dma_start3A, %dma_start3A_25] : memref<32x40x128xi32, #tpu.memory_space<hbm>> -> memref<1x40x128xi32, #tpu.memory_space<hbm>>
      %dma_start3A_27 = tpu.memref_squeeze %dma_start3A_26 : memref<1x40x128xi32, #tpu.memory_space<hbm>> -> memref<40x128xi32, #tpu.memory_space<hbm>>
      %dma_start3A_28 = arith.constant 0 : i32
      %dma_start3A_29 = arith.constant 0 : i32
      %dma_start3A_30 = tpu.memref_slice %arg2[%add3A, %dma_start3A_28, %dma_start3A_29] : memref<32x40x128xi32, #tpu.memory_space<hbm>> -> memref<1x40x128xi32, #tpu.memory_space<hbm>>
      %dma_start3A_31 = tpu.memref_squeeze %dma_start3A_30 : memref<1x40x128xi32, #tpu.memory_space<hbm>> -> memref<40x128xi32, #tpu.memory_space<hbm>>
      tpu.enqueue_dma source(%dma_start3A_31 : memref<40x128xi32, #tpu.memory_space<hbm>>) target(%arg6 : memref<40x128xi32, #tpu.memory_space<vmem>>) target_semaphore(%run_scoped3A : memref<!tpu.dma_semaphore, #tpu.memory_space<semaphore_mem>>)
      %dma_wait3A = arith.constant 0 : i32
      %dma_wait3A_32 = arith.constant 0 : i32
      %dma_wait3A_33 = tpu.memref_slice %arg2[%add3A, %dma_wait3A, %dma_wait3A_32] : memref<32x40x128xi32, #tpu.memory_space<hbm>> -> memref<1x40x128xi32, #tpu.memory_space<hbm>>
      %dma_wait3A_34 = tpu.memref_squeeze %dma_wait3A_33 : memref<1x40x128xi32, #tpu.memory_space<hbm>> -> memref<40x128xi32, #tpu.memory_space<hbm>>
      %dma_wait3A_35 = arith.constant 0 : i32
      %dma_wait3A_36 = arith.constant 0 : i32
      %dma_wait3A_37 = tpu.memref_slice %arg2[%add3A, %dma_wait3A_35, %dma_wait3A_36] : memref<32x40x128xi32, #tpu.memory_space<hbm>> -> memref<1x40x128xi32, #tpu.memory_space<hbm>>
      %dma_wait3A_38 = tpu.memref_squeeze %dma_wait3A_37 : memref<1x40x128xi32, #tpu.memory_space<hbm>> -> memref<40x128xi32, #tpu.memory_space<hbm>>
      tpu.wait_dma2 semaphore(%run_scoped3A : memref<!tpu.dma_semaphore, #tpu.memory_space<semaphore_mem>>) src(%dma_wait3A_38 : memref<40x128xi32, #tpu.memory_space<hbm>>) dst(%arg6 : memref<40x128xi32, #tpu.memory_space<vmem>>)
      tpu.yield
    }) : () -> ()
    "tpu.region"() ({
      %run_scoped3A = tpu.sem_alloc : memref<!tpu.dma_semaphore, #tpu.memory_space<semaphore_mem>>
      tpu.enqueue_dma source(%arg3 : memref<128x128xf32, #tpu.memory_space<hbm>>) target(%arg7 : memref<128x128xf32, #tpu.memory_space<vmem>>) target_semaphore(%run_scoped3A : memref<!tpu.dma_semaphore, #tpu.memory_space<semaphore_mem>>)
      tpu.wait_dma2 semaphore(%run_scoped3A : memref<!tpu.dma_semaphore, #tpu.memory_space<semaphore_mem>>) src(%arg3 : memref<128x128xf32, #tpu.memory_space<hbm>>) dst(%arg7 : memref<128x128xf32, #tpu.memory_space<vmem>>)
      tpu.yield
    }) : () -> ()
    %ne3A = arith.constant 15 : i32
    %ne3A_3 = arith.cmpi ne, %arg1, %ne3A : i32
    %convert_element_type3A = arith.extui %ne3A_3 : i1 to i32
    %cond3A = arith.constant 0 : i32
    %cond3A_4 = arith.cmpi ne, %convert_element_type3A, %cond3A : i32
    scf.if %cond3A_4 {
      "tpu.region"() ({
        %run_scoped3A = tpu.sem_alloc : memref<!tpu.dma_semaphore, #tpu.memory_space<semaphore_mem>>
        %dma_start3A = arith.constant 0 : i32
        %dma_start3A_25 = tpu.memref_slice %arg8[%mul3A_2, %dma_start3A] : memref<10112x128xf32, #tpu.memory_space<vmem_shared>> -> memref<632x128xf32, #tpu.memory_space<vmem_shared>>
        %dma_start3A_26 = arith.constant 0 : i32
        %dma_start3A_27 = tpu.memref_slice %arg4[%mul3A_2, %dma_start3A_26] : memref<10000x128xf32, #tpu.memory_space<hbm>> -> memref<632x128xf32, #tpu.memory_space<hbm>>
        tpu.enqueue_dma source(%dma_start3A_27 : memref<632x128xf32, #tpu.memory_space<hbm>>) target(%dma_start3A_25 : memref<632x128xf32, #tpu.memory_space<vmem_shared>>) target_semaphore(%run_scoped3A : memref<!tpu.dma_semaphore, #tpu.memory_space<semaphore_mem>>)
        %dma_wait3A = arith.constant 0 : i32
        %dma_wait3A_28 = tpu.memref_slice %arg8[%mul3A_2, %dma_wait3A] : memref<10112x128xf32, #tpu.memory_space<vmem_shared>> -> memref<632x128xf32, #tpu.memory_space<vmem_shared>>
        %dma_wait3A_29 = arith.constant 0 : i32
        %dma_wait3A_30 = tpu.memref_slice %arg4[%mul3A_2, %dma_wait3A_29] : memref<10000x128xf32, #tpu.memory_space<hbm>> -> memref<632x128xf32, #tpu.memory_space<hbm>>
        tpu.wait_dma2 semaphore(%run_scoped3A : memref<!tpu.dma_semaphore, #tpu.memory_space<semaphore_mem>>) src(%dma_wait3A_30 : memref<632x128xf32, #tpu.memory_space<hbm>>) dst(%dma_wait3A_28 : memref<632x128xf32, #tpu.memory_space<vmem_shared>>)
        tpu.yield
      }) : () -> ()
    } else {
    }
    %eq3A = arith.constant 15 : i32
    %eq3A_5 = arith.cmpi eq, %arg1, %eq3A : i32
    %convert_element_type3A_6 = arith.extui %eq3A_5 : i1 to i32
    %cond3A_7 = arith.constant 0 : i32
    %cond3A_8 = arith.cmpi ne, %convert_element_type3A_6, %cond3A_7 : i32
    scf.if %cond3A_8 {
      "tpu.region"() ({
        %run_scoped3A = tpu.sem_alloc : memref<!tpu.dma_semaphore, #tpu.memory_space<semaphore_mem>>
        %dma_start3A = arith.constant 0 : i32
        %dma_start3A_25 = tpu.memref_slice %arg8[%mul3A_2, %dma_start3A] : memref<10112x128xf32, #tpu.memory_space<vmem_shared>> -> memref<520x128xf32, #tpu.memory_space<vmem_shared>>
        %dma_start3A_26 = arith.constant 0 : i32
        %dma_start3A_27 = tpu.memref_slice %arg4[%mul3A_2, %dma_start3A_26] : memref<10000x128xf32, #tpu.memory_space<hbm>> -> memref<520x128xf32, #tpu.memory_space<hbm>>
        tpu.enqueue_dma source(%dma_start3A_27 : memref<520x128xf32, #tpu.memory_space<hbm>>) target(%dma_start3A_25 : memref<520x128xf32, #tpu.memory_space<vmem_shared>>) target_semaphore(%run_scoped3A : memref<!tpu.dma_semaphore, #tpu.memory_space<semaphore_mem>>)
        %dma_wait3A = arith.constant 0 : i32
        %dma_wait3A_28 = tpu.memref_slice %arg8[%mul3A_2, %dma_wait3A] : memref<10112x128xf32, #tpu.memory_space<vmem_shared>> -> memref<520x128xf32, #tpu.memory_space<vmem_shared>>
        %dma_wait3A_29 = arith.constant 0 : i32
        %dma_wait3A_30 = tpu.memref_slice %arg4[%mul3A_2, %dma_wait3A_29] : memref<10000x128xf32, #tpu.memory_space<hbm>> -> memref<520x128xf32, #tpu.memory_space<hbm>>
        tpu.wait_dma2 semaphore(%run_scoped3A : memref<!tpu.dma_semaphore, #tpu.memory_space<semaphore_mem>>) src(%dma_wait3A_30 : memref<520x128xf32, #tpu.memory_space<hbm>>) dst(%dma_wait3A_28 : memref<520x128xf32, #tpu.memory_space<vmem_shared>>)
        tpu.yield
      }) : () -> ()
    } else {
    }
    %barrier3A = arith.constant 0 : index
    tpu.barrier barrier_id(%barrier3A)
    %scan3A = arith.constant 0 : i32
    %scan3A_9 = arith.constant 0 : i32
    %scan3A_10 = arith.constant 40 : i32
    %scan3A_11 = arith.addi %scan3A_9, %scan3A_10 : i32
    %scan3A_12 = arith.constant 1 : i32
    scf.for %scan3A_25 = %scan3A_9 to %scan3A_11 step %scan3A_12  : i32 {
      "tpu.region"() ({
        %run_scoped3A = tpu.sem_alloc : memref<!tpu.dma_semaphore, #tpu.memory_space<semaphore_mem>>
        %dma_start3A = arith.constant 0 : i32
        %dma_start3A_26 = tpu.memref_slice %arg6[%scan3A_25, %dma_start3A] : memref<40x128xi32, #tpu.memory_space<vmem>> -> memref<1x128xi32, #tpu.memory_space<vmem>>
        %dma_start3A_27 = tpu.memref_squeeze %dma_start3A_26 : memref<1x128xi32, #tpu.memory_space<vmem>> -> memref<128xi32, #tpu.memory_space<vmem>>
        %dma_start3A_28 = arith.constant 0 : i32
        %dma_start3A_29 = arith.constant 0 : i32
        %dma_start3A_30 = tpu.memref_slice %arg8[%dma_start3A_28, %dma_start3A_29] : memref<10112x128xf32, #tpu.memory_space<vmem_shared>> -> memref<10112x128xf32, #tpu.memory_space<vmem_shared>>
        tpu.enqueue_indirect_dma source(%arg7 : memref<128x128xf32, #tpu.memory_space<vmem>>) target(%dma_start3A_30 : memref<10112x128xf32, #tpu.memory_space<vmem_shared>>) offsets(%dma_start3A_27 : memref<128xi32, #tpu.memory_space<vmem>>) semaphore(%run_scoped3A : memref<!tpu.dma_semaphore, #tpu.memory_space<semaphore_mem>>) {add = true}
        %dma_wait3A = arith.constant 0 : i32
        %dma_wait3A_31 = tpu.memref_slice %arg6[%scan3A_25, %dma_wait3A] : memref<40x128xi32, #tpu.memory_space<vmem>> -> memref<1x128xi32, #tpu.memory_space<vmem>>
        %dma_wait3A_32 = tpu.memref_squeeze %dma_wait3A_31 : memref<1x128xi32, #tpu.memory_space<vmem>> -> memref<128xi32, #tpu.memory_space<vmem>>
        %dma_wait3A_33 = arith.constant 0 : i32
        %dma_wait3A_34 = arith.constant 0 : i32
        %dma_wait3A_35 = tpu.memref_slice %arg8[%dma_wait3A_33, %dma_wait3A_34] : memref<10112x128xf32, #tpu.memory_space<vmem_shared>> -> memref<10112x128xf32, #tpu.memory_space<vmem_shared>>
        tpu.wait_indirect_dma semaphore(%run_scoped3A : memref<!tpu.dma_semaphore, #tpu.memory_space<semaphore_mem>>) src(%arg7 : memref<128x128xf32, #tpu.memory_space<vmem>>) dst(%dma_wait3A_35 : memref<10112x128xf32, #tpu.memory_space<vmem_shared>>)
        tpu.yield
      }) : () -> ()
    }
    %scan3A_13 = arith.constant 40 : i32
    %barrier3A_14 = arith.constant 0 : index
    tpu.barrier barrier_id(%barrier3A_14)
    %ne3A_15 = arith.constant 15 : i32
    %ne3A_16 = arith.cmpi ne, %arg1, %ne3A_15 : i32
    %convert_element_type3A_17 = arith.extui %ne3A_16 : i1 to i32
    %cond3A_18 = arith.constant 0 : i32
    %cond3A_19 = arith.cmpi ne, %convert_element_type3A_17, %cond3A_18 : i32
    scf.if %cond3A_19 {
      "tpu.region"() ({
        %run_scoped3A = tpu.sem_alloc : memref<!tpu.dma_semaphore, #tpu.memory_space<semaphore_mem>>
        %dma_start3A = arith.constant 0 : i32
        %dma_start3A_25 = tpu.memref_slice %arg5[%arg0, %mul3A_2, %dma_start3A] : memref<2x10000x128xf32, #tpu.memory_space<hbm>> -> memref<1x632x128xf32, #tpu.memory_space<hbm>>
        %dma_start3A_26 = tpu.memref_squeeze %dma_start3A_25 : memref<1x632x128xf32, #tpu.memory_space<hbm>> -> memref<632x128xf32, #tpu.memory_space<hbm>>
        %dma_start3A_27 = arith.constant 0 : i32
        %dma_start3A_28 = tpu.memref_slice %arg8[%mul3A_2, %dma_start3A_27] : memref<10112x128xf32, #tpu.memory_space<vmem_shared>> -> memref<632x128xf32, #tpu.memory_space<vmem_shared>>
        tpu.enqueue_dma source(%dma_start3A_28 : memref<632x128xf32, #tpu.memory_space<vmem_shared>>) target(%dma_start3A_26 : memref<632x128xf32, #tpu.memory_space<hbm>>) target_semaphore(%run_scoped3A : memref<!tpu.dma_semaphore, #tpu.memory_space<semaphore_mem>>)
        %dma_wait3A = arith.constant 0 : i32
        %dma_wait3A_29 = tpu.memref_slice %arg5[%arg0, %mul3A_2, %dma_wait3A] : memref<2x10000x128xf32, #tpu.memory_space<hbm>> -> memref<1x632x128xf32, #tpu.memory_space<hbm>>
        %dma_wait3A_30 = tpu.memref_squeeze %dma_wait3A_29 : memref<1x632x128xf32, #tpu.memory_space<hbm>> -> memref<632x128xf32, #tpu.memory_space<hbm>>
        %dma_wait3A_31 = arith.constant 0 : i32
        %dma_wait3A_32 = tpu.memref_slice %arg8[%mul3A_2, %dma_wait3A_31] : memref<10112x128xf32, #tpu.memory_space<vmem_shared>> -> memref<632x128xf32, #tpu.memory_space<vmem_shared>>
        tpu.wait_dma2 semaphore(%run_scoped3A : memref<!tpu.dma_semaphore, #tpu.memory_space<semaphore_mem>>) src(%dma_wait3A_32 : memref<632x128xf32, #tpu.memory_space<vmem_shared>>) dst(%dma_wait3A_30 : memref<632x128xf32, #tpu.memory_space<hbm>>)
        tpu.yield
      }) : () -> ()
    } else {
    }
    %eq3A_20 = arith.constant 15 : i32
    %eq3A_21 = arith.cmpi eq, %arg1, %eq3A_20 : i32
    %convert_element_type3A_22 = arith.extui %eq3A_21 : i1 to i32
    %cond3A_23 = arith.constant 0 : i32
    %cond3A_24 = arith.cmpi ne, %convert_element_type3A_22, %cond3A_23 : i32
    scf.if %cond3A_24 {
      "tpu.region"() ({
        %run_scoped3A = tpu.sem_alloc : memref<!tpu.dma_semaphore, #tpu.memory_space<semaphore_mem>>
        %dma_start3A = arith.constant 0 : i32
        %dma_start3A_25 = tpu.memref_slice %arg5[%arg0, %mul3A_2, %dma_start3A] : memref<2x10000x128xf32, #tpu.memory_space<hbm>> -> memref<1x520x128xf32, #tpu.memory_space<hbm>>
        %dma_start3A_26 = tpu.memref_squeeze %dma_start3A_25 : memref<1x520x128xf32, #tpu.memory_space<hbm>> -> memref<520x128xf32, #tpu.memory_space<hbm>>
        %dma_start3A_27 = arith.constant 0 : i32
        %dma_start3A_28 = tpu.memref_slice %arg8[%mul3A_2, %dma_start3A_27] : memref<10112x128xf32, #tpu.memory_space<vmem_shared>> -> memref<520x128xf32, #tpu.memory_space<vmem_shared>>
        tpu.enqueue_dma source(%dma_start3A_28 : memref<520x128xf32, #tpu.memory_space<vmem_shared>>) target(%dma_start3A_26 : memref<520x128xf32, #tpu.memory_space<hbm>>) target_semaphore(%run_scoped3A : memref<!tpu.dma_semaphore, #tpu.memory_space<semaphore_mem>>)
        %dma_wait3A = arith.constant 0 : i32
        %dma_wait3A_29 = tpu.memref_slice %arg5[%arg0, %mul3A_2, %dma_wait3A] : memref<2x10000x128xf32, #tpu.memory_space<hbm>> -> memref<1x520x128xf32, #tpu.memory_space<hbm>>
        %dma_wait3A_30 = tpu.memref_squeeze %dma_wait3A_29 : memref<1x520x128xf32, #tpu.memory_space<hbm>> -> memref<520x128xf32, #tpu.memory_space<hbm>>
        %dma_wait3A_31 = arith.constant 0 : i32
        %dma_wait3A_32 = tpu.memref_slice %arg8[%mul3A_2, %dma_wait3A_31] : memref<10112x128xf32, #tpu.memory_space<vmem_shared>> -> memref<520x128xf32, #tpu.memory_space<vmem_shared>>
        tpu.wait_dma2 semaphore(%run_scoped3A : memref<!tpu.dma_semaphore, #tpu.memory_space<semaphore_mem>>) src(%dma_wait3A_32 : memref<520x128xf32, #tpu.memory_space<vmem_shared>>) dst(%dma_wait3A_30 : memref<520x128xf32, #tpu.memory_space<hbm>>)
        tpu.yield
      }) : () -> ()
    } else {
    }
    return
  }
}

#map = affine_map<(d0, d1) -> (0, 0, 0)>
#map1 = affine_map<(d0, d1) -> (0, 0)>
module attributes {stable_mosaic.version = 14 : i64} {
  func.func @sc1_k(%arg0: i32, %arg1: i32, %arg2: memref<16x80x128xi32, #tpu.memory_space<hbm>>, %arg3: memref<16x80x128xi32, #tpu.memory_space<hbm>>, %arg4: memref<10000x128xf32, #tpu.memory_space<hbm>>, %arg5: memref<10000x128xf32, #tpu.memory_space<hbm>>, %arg6: memref<2x10000x128xf32, #tpu.memory_space<hbm>>, %arg7: memref<80x128xi32, #tpu.memory_space<vmem>>, %arg8: memref<80x128xi32, #tpu.memory_space<vmem>>, %arg9: memref<128x128xf32, #tpu.memory_space<vmem>>, %arg10: memref<10112x128xf32, #tpu.memory_space<vmem_shared>>, %arg11: memref<!tpu.dma_semaphore, #tpu.memory_space<semaphore_mem>>) attributes {dimension_semantics = [#tpu.dimension_semantics<core_parallel>, #tpu.dimension_semantics<subcore_parallel>], iteration_bounds = array<i64: 2, 16>, scalar_prefetch = 0 : i64, scratch_operands = 5 : i64, tpu.core_type = #tpu.core_type<sc_vector_subcore>, window_params = [{transform_indices = #map}, {transform_indices = #map}, {transform_indices = #map1}, {transform_indices = #map1}, {transform_indices = #map}]} {
    %mul3A = arith.constant 632 : i32
    %mul3A_0 = arith.muli %arg1, %mul3A : i32
    "tpu.region"() ({
      %run_scoped3A = tpu.sem_alloc : memref<!tpu.dma_semaphore, #tpu.memory_space<semaphore_mem>>
      %dma_start3A = arith.constant 0 : i32
      %dma_start3A_17 = arith.constant 0 : i32
      %dma_start3A_18 = tpu.memref_slice %arg2[%arg1, %dma_start3A, %dma_start3A_17] : memref<16x80x128xi32, #tpu.memory_space<hbm>> -> memref<1x80x128xi32, #tpu.memory_space<hbm>>
      %dma_start3A_19 = tpu.memref_squeeze %dma_start3A_18 : memref<1x80x128xi32, #tpu.memory_space<hbm>> -> memref<80x128xi32, #tpu.memory_space<hbm>>
      %dma_start3A_20 = arith.constant 0 : i32
      %dma_start3A_21 = arith.constant 0 : i32
      %dma_start3A_22 = tpu.memref_slice %arg2[%arg1, %dma_start3A_20, %dma_start3A_21] : memref<16x80x128xi32, #tpu.memory_space<hbm>> -> memref<1x80x128xi32, #tpu.memory_space<hbm>>
      %dma_start3A_23 = tpu.memref_squeeze %dma_start3A_22 : memref<1x80x128xi32, #tpu.memory_space<hbm>> -> memref<80x128xi32, #tpu.memory_space<hbm>>
      tpu.enqueue_dma source(%dma_start3A_23 : memref<80x128xi32, #tpu.memory_space<hbm>>) target(%arg7 : memref<80x128xi32, #tpu.memory_space<vmem>>) target_semaphore(%run_scoped3A : memref<!tpu.dma_semaphore, #tpu.memory_space<semaphore_mem>>)
      %dma_wait3A = arith.constant 0 : i32
      %dma_wait3A_24 = arith.constant 0 : i32
      %dma_wait3A_25 = tpu.memref_slice %arg2[%arg1, %dma_wait3A, %dma_wait3A_24] : memref<16x80x128xi32, #tpu.memory_space<hbm>> -> memref<1x80x128xi32, #tpu.memory_space<hbm>>
      %dma_wait3A_26 = tpu.memref_squeeze %dma_wait3A_25 : memref<1x80x128xi32, #tpu.memory_space<hbm>> -> memref<80x128xi32, #tpu.memory_space<hbm>>
      %dma_wait3A_27 = arith.constant 0 : i32
      %dma_wait3A_28 = arith.constant 0 : i32
      %dma_wait3A_29 = tpu.memref_slice %arg2[%arg1, %dma_wait3A_27, %dma_wait3A_28] : memref<16x80x128xi32, #tpu.memory_space<hbm>> -> memref<1x80x128xi32, #tpu.memory_space<hbm>>
      %dma_wait3A_30 = tpu.memref_squeeze %dma_wait3A_29 : memref<1x80x128xi32, #tpu.memory_space<hbm>> -> memref<80x128xi32, #tpu.memory_space<hbm>>
      tpu.wait_dma2 semaphore(%run_scoped3A : memref<!tpu.dma_semaphore, #tpu.memory_space<semaphore_mem>>) src(%dma_wait3A_30 : memref<80x128xi32, #tpu.memory_space<hbm>>) dst(%arg7 : memref<80x128xi32, #tpu.memory_space<vmem>>)
      tpu.yield
    }) : () -> ()
    "tpu.region"() ({
      %run_scoped3A = tpu.sem_alloc : memref<!tpu.dma_semaphore, #tpu.memory_space<semaphore_mem>>
      %dma_start3A = arith.constant 0 : i32
      %dma_start3A_17 = arith.constant 0 : i32
      %dma_start3A_18 = tpu.memref_slice %arg3[%arg1, %dma_start3A, %dma_start3A_17] : memref<16x80x128xi32, #tpu.memory_space<hbm>> -> memref<1x80x128xi32, #tpu.memory_space<hbm>>
      %dma_start3A_19 = tpu.memref_squeeze %dma_start3A_18 : memref<1x80x128xi32, #tpu.memory_space<hbm>> -> memref<80x128xi32, #tpu.memory_space<hbm>>
      %dma_start3A_20 = arith.constant 0 : i32
      %dma_start3A_21 = arith.constant 0 : i32
      %dma_start3A_22 = tpu.memref_slice %arg3[%arg1, %dma_start3A_20, %dma_start3A_21] : memref<16x80x128xi32, #tpu.memory_space<hbm>> -> memref<1x80x128xi32, #tpu.memory_space<hbm>>
      %dma_start3A_23 = tpu.memref_squeeze %dma_start3A_22 : memref<1x80x128xi32, #tpu.memory_space<hbm>> -> memref<80x128xi32, #tpu.memory_space<hbm>>
      tpu.enqueue_dma source(%dma_start3A_23 : memref<80x128xi32, #tpu.memory_space<hbm>>) target(%arg8 : memref<80x128xi32, #tpu.memory_space<vmem>>) target_semaphore(%run_scoped3A : memref<!tpu.dma_semaphore, #tpu.memory_space<semaphore_mem>>)
      %dma_wait3A = arith.constant 0 : i32
      %dma_wait3A_24 = arith.constant 0 : i32
      %dma_wait3A_25 = tpu.memref_slice %arg3[%arg1, %dma_wait3A, %dma_wait3A_24] : memref<16x80x128xi32, #tpu.memory_space<hbm>> -> memref<1x80x128xi32, #tpu.memory_space<hbm>>
      %dma_wait3A_26 = tpu.memref_squeeze %dma_wait3A_25 : memref<1x80x128xi32, #tpu.memory_space<hbm>> -> memref<80x128xi32, #tpu.memory_space<hbm>>
      %dma_wait3A_27 = arith.constant 0 : i32
      %dma_wait3A_28 = arith.constant 0 : i32
      %dma_wait3A_29 = tpu.memref_slice %arg3[%arg1, %dma_wait3A_27, %dma_wait3A_28] : memref<16x80x128xi32, #tpu.memory_space<hbm>> -> memref<1x80x128xi32, #tpu.memory_space<hbm>>
      %dma_wait3A_30 = tpu.memref_squeeze %dma_wait3A_29 : memref<1x80x128xi32, #tpu.memory_space<hbm>> -> memref<80x128xi32, #tpu.memory_space<hbm>>
      tpu.wait_dma2 semaphore(%run_scoped3A : memref<!tpu.dma_semaphore, #tpu.memory_space<semaphore_mem>>) src(%dma_wait3A_30 : memref<80x128xi32, #tpu.memory_space<hbm>>) dst(%arg8 : memref<80x128xi32, #tpu.memory_space<vmem>>)
      tpu.yield
    }) : () -> ()
    %eq3A = arith.constant 0 : i32
    %eq3A_1 = arith.cmpi eq, %arg0, %eq3A : i32
    %convert_element_type3A = arith.extui %eq3A_1 : i1 to i32
    %cond3A = arith.constant 0 : i32
    %cond3A_2 = arith.cmpi ne, %convert_element_type3A, %cond3A : i32
    scf.if %cond3A_2 {
      %ne3A_17 = arith.constant 15 : i32
      %ne3A_18 = arith.cmpi ne, %arg1, %ne3A_17 : i32
      %convert_element_type3A_19 = arith.extui %ne3A_18 : i1 to i32
      %cond3A_20 = arith.constant 0 : i32
      %cond3A_21 = arith.cmpi ne, %convert_element_type3A_19, %cond3A_20 : i32
      scf.if %cond3A_21 {
        "tpu.region"() ({
          %run_scoped3A = tpu.sem_alloc : memref<!tpu.dma_semaphore, #tpu.memory_space<semaphore_mem>>
          %dma_start3A = arith.constant 0 : i32
          %dma_start3A_33 = tpu.memref_slice %arg10[%mul3A_0, %dma_start3A] : memref<10112x128xf32, #tpu.memory_space<vmem_shared>> -> memref<632x128xf32, #tpu.memory_space<vmem_shared>>
          %dma_start3A_34 = arith.constant 0 : i32
          %dma_start3A_35 = tpu.memref_slice %arg4[%mul3A_0, %dma_start3A_34] : memref<10000x128xf32, #tpu.memory_space<hbm>> -> memref<632x128xf32, #tpu.memory_space<hbm>>
          tpu.enqueue_dma source(%dma_start3A_35 : memref<632x128xf32, #tpu.memory_space<hbm>>) target(%dma_start3A_33 : memref<632x128xf32, #tpu.memory_space<vmem_shared>>) target_semaphore(%run_scoped3A : memref<!tpu.dma_semaphore, #tpu.memory_space<semaphore_mem>>)
          %dma_wait3A = arith.constant 0 : i32
          %dma_wait3A_36 = tpu.memref_slice %arg10[%mul3A_0, %dma_wait3A] : memref<10112x128xf32, #tpu.memory_space<vmem_shared>> -> memref<632x128xf32, #tpu.memory_space<vmem_shared>>
          %dma_wait3A_37 = arith.constant 0 : i32
          %dma_wait3A_38 = tpu.memref_slice %arg4[%mul3A_0, %dma_wait3A_37] : memref<10000x128xf32, #tpu.memory_space<hbm>> -> memref<632x128xf32, #tpu.memory_space<hbm>>
          tpu.wait_dma2 semaphore(%run_scoped3A : memref<!tpu.dma_semaphore, #tpu.memory_space<semaphore_mem>>) src(%dma_wait3A_38 : memref<632x128xf32, #tpu.memory_space<hbm>>) dst(%dma_wait3A_36 : memref<632x128xf32, #tpu.memory_space<vmem_shared>>)
          tpu.yield
        }) : () -> ()
      } else {
      }
      %eq3A_22 = arith.constant 15 : i32
      %eq3A_23 = arith.cmpi eq, %arg1, %eq3A_22 : i32
      %convert_element_type3A_24 = arith.extui %eq3A_23 : i1 to i32
      %cond3A_25 = arith.constant 0 : i32
      %cond3A_26 = arith.cmpi ne, %convert_element_type3A_24, %cond3A_25 : i32
      scf.if %cond3A_26 {
        "tpu.region"() ({
          %run_scoped3A = tpu.sem_alloc : memref<!tpu.dma_semaphore, #tpu.memory_space<semaphore_mem>>
          %dma_start3A = arith.constant 0 : i32
          %dma_start3A_33 = tpu.memref_slice %arg10[%mul3A_0, %dma_start3A] : memref<10112x128xf32, #tpu.memory_space<vmem_shared>> -> memref<520x128xf32, #tpu.memory_space<vmem_shared>>
          %dma_start3A_34 = arith.constant 0 : i32
          %dma_start3A_35 = tpu.memref_slice %arg4[%mul3A_0, %dma_start3A_34] : memref<10000x128xf32, #tpu.memory_space<hbm>> -> memref<520x128xf32, #tpu.memory_space<hbm>>
          tpu.enqueue_dma source(%dma_start3A_35 : memref<520x128xf32, #tpu.memory_space<hbm>>) target(%dma_start3A_33 : memref<520x128xf32, #tpu.memory_space<vmem_shared>>) target_semaphore(%run_scoped3A : memref<!tpu.dma_semaphore, #tpu.memory_space<semaphore_mem>>)
          %dma_wait3A = arith.constant 0 : i32
          %dma_wait3A_36 = tpu.memref_slice %arg10[%mul3A_0, %dma_wait3A] : memref<10112x128xf32, #tpu.memory_space<vmem_shared>> -> memref<520x128xf32, #tpu.memory_space<vmem_shared>>
          %dma_wait3A_37 = arith.constant 0 : i32
          %dma_wait3A_38 = tpu.memref_slice %arg4[%mul3A_0, %dma_wait3A_37] : memref<10000x128xf32, #tpu.memory_space<hbm>> -> memref<520x128xf32, #tpu.memory_space<hbm>>
          tpu.wait_dma2 semaphore(%run_scoped3A : memref<!tpu.dma_semaphore, #tpu.memory_space<semaphore_mem>>) src(%dma_wait3A_38 : memref<520x128xf32, #tpu.memory_space<hbm>>) dst(%dma_wait3A_36 : memref<520x128xf32, #tpu.memory_space<vmem_shared>>)
          tpu.yield
        }) : () -> ()
      } else {
      }
      %barrier3A_27 = arith.constant 0 : index
      tpu.barrier barrier_id(%barrier3A_27)
      %scan3A = arith.constant 0 : i32
      %scan3A_28 = arith.constant 0 : i32
      %scan3A_29 = arith.constant 80 : i32
      %scan3A_30 = arith.addi %scan3A_28, %scan3A_29 : i32
      %scan3A_31 = arith.constant 1 : i32
      scf.for %scan3A_33 = %scan3A_28 to %scan3A_30 step %scan3A_31  : i32 {
        %dma_start3A = arith.constant 0 : i32
        %dma_start3A_34 = tpu.memref_slice %arg7[%scan3A_33, %dma_start3A] : memref<80x128xi32, #tpu.memory_space<vmem>> -> memref<1x128xi32, #tpu.memory_space<vmem>>
        %dma_start3A_35 = tpu.memref_squeeze %dma_start3A_34 : memref<1x128xi32, #tpu.memory_space<vmem>> -> memref<128xi32, #tpu.memory_space<vmem>>
        %dma_start3A_36 = arith.constant 0 : i32
        %dma_start3A_37 = arith.constant 0 : i32
        %dma_start3A_38 = tpu.memref_slice %arg4[%dma_start3A_36, %dma_start3A_37] : memref<10000x128xf32, #tpu.memory_space<hbm>> -> memref<10000x128xf32, #tpu.memory_space<hbm>>
        tpu.enqueue_indirect_dma source(%dma_start3A_38 : memref<10000x128xf32, #tpu.memory_space<hbm>>) target(%arg9 : memref<128x128xf32, #tpu.memory_space<vmem>>) offsets(%dma_start3A_35 : memref<128xi32, #tpu.memory_space<vmem>>) semaphore(%arg11 : memref<!tpu.dma_semaphore, #tpu.memory_space<semaphore_mem>>)
        %dma_wait3A = arith.constant 0 : i32
        %dma_wait3A_39 = tpu.memref_slice %arg7[%scan3A_33, %dma_wait3A] : memref<80x128xi32, #tpu.memory_space<vmem>> -> memref<1x128xi32, #tpu.memory_space<vmem>>
        %dma_wait3A_40 = tpu.memref_squeeze %dma_wait3A_39 : memref<1x128xi32, #tpu.memory_space<vmem>> -> memref<128xi32, #tpu.memory_space<vmem>>
        %dma_wait3A_41 = arith.constant 0 : i32
        %dma_wait3A_42 = arith.constant 0 : i32
        %dma_wait3A_43 = tpu.memref_slice %arg4[%dma_wait3A_41, %dma_wait3A_42] : memref<10000x128xf32, #tpu.memory_space<hbm>> -> memref<10000x128xf32, #tpu.memory_space<hbm>>
        tpu.wait_indirect_dma semaphore(%arg11 : memref<!tpu.dma_semaphore, #tpu.memory_space<semaphore_mem>>) src(%dma_wait3A_43 : memref<10000x128xf32, #tpu.memory_space<hbm>>) dst(%arg9 : memref<128x128xf32, #tpu.memory_space<vmem>>)
        "tpu.region"() ({
          %run_scoped3A = tpu.sem_alloc : memref<!tpu.dma_semaphore, #tpu.memory_space<semaphore_mem>>
          %dma_start3A_44 = arith.constant 0 : i32
          %dma_start3A_45 = tpu.memref_slice %arg8[%scan3A_33, %dma_start3A_44] : memref<80x128xi32, #tpu.memory_space<vmem>> -> memref<1x128xi32, #tpu.memory_space<vmem>>
          %dma_start3A_46 = tpu.memref_squeeze %dma_start3A_45 : memref<1x128xi32, #tpu.memory_space<vmem>> -> memref<128xi32, #tpu.memory_space<vmem>>
          %dma_start3A_47 = arith.constant 0 : i32
          %dma_start3A_48 = arith.constant 0 : i32
          %dma_start3A_49 = tpu.memref_slice %arg10[%dma_start3A_47, %dma_start3A_48] : memref<10112x128xf32, #tpu.memory_space<vmem_shared>> -> memref<10112x128xf32, #tpu.memory_space<vmem_shared>>
          tpu.enqueue_indirect_dma source(%arg9 : memref<128x128xf32, #tpu.memory_space<vmem>>) target(%dma_start3A_49 : memref<10112x128xf32, #tpu.memory_space<vmem_shared>>) offsets(%dma_start3A_46 : memref<128xi32, #tpu.memory_space<vmem>>) semaphore(%run_scoped3A : memref<!tpu.dma_semaphore, #tpu.memory_space<semaphore_mem>>) {add = true}
          %dma_wait3A_50 = arith.constant 0 : i32
          %dma_wait3A_51 = tpu.memref_slice %arg8[%scan3A_33, %dma_wait3A_50] : memref<80x128xi32, #tpu.memory_space<vmem>> -> memref<1x128xi32, #tpu.memory_space<vmem>>
          %dma_wait3A_52 = tpu.memref_squeeze %dma_wait3A_51 : memref<1x128xi32, #tpu.memory_space<vmem>> -> memref<128xi32, #tpu.memory_space<vmem>>
          %dma_wait3A_53 = arith.constant 0 : i32
          %dma_wait3A_54 = arith.constant 0 : i32
          %dma_wait3A_55 = tpu.memref_slice %arg10[%dma_wait3A_53, %dma_wait3A_54] : memref<10112x128xf32, #tpu.memory_space<vmem_shared>> -> memref<10112x128xf32, #tpu.memory_space<vmem_shared>>
          tpu.wait_indirect_dma semaphore(%run_scoped3A : memref<!tpu.dma_semaphore, #tpu.memory_space<semaphore_mem>>) src(%arg9 : memref<128x128xf32, #tpu.memory_space<vmem>>) dst(%dma_wait3A_55 : memref<10112x128xf32, #tpu.memory_space<vmem_shared>>)
          tpu.yield
        }) : () -> ()
      }
      %scan3A_32 = arith.constant 80 : i32
    } else {
    }
    %eq3A_3 = arith.constant 1 : i32
    %eq3A_4 = arith.cmpi eq, %arg0, %eq3A_3 : i32
    %convert_element_type3A_5 = arith.extui %eq3A_4 : i1 to i32
    %cond3A_6 = arith.constant 0 : i32
    %cond3A_7 = arith.cmpi ne, %convert_element_type3A_5, %cond3A_6 : i32
    scf.if %cond3A_7 {
      %ne3A_17 = arith.constant 15 : i32
      %ne3A_18 = arith.cmpi ne, %arg1, %ne3A_17 : i32
      %convert_element_type3A_19 = arith.extui %ne3A_18 : i1 to i32
      %cond3A_20 = arith.constant 0 : i32
      %cond3A_21 = arith.cmpi ne, %convert_element_type3A_19, %cond3A_20 : i32
      scf.if %cond3A_21 {
        "tpu.region"() ({
          %run_scoped3A = tpu.sem_alloc : memref<!tpu.dma_semaphore, #tpu.memory_space<semaphore_mem>>
          %dma_start3A = arith.constant 0 : i32
          %dma_start3A_33 = tpu.memref_slice %arg10[%mul3A_0, %dma_start3A] : memref<10112x128xf32, #tpu.memory_space<vmem_shared>> -> memref<632x128xf32, #tpu.memory_space<vmem_shared>>
          %dma_start3A_34 = arith.constant 0 : i32
          %dma_start3A_35 = tpu.memref_slice %arg5[%mul3A_0, %dma_start3A_34] : memref<10000x128xf32, #tpu.memory_space<hbm>> -> memref<632x128xf32, #tpu.memory_space<hbm>>
          tpu.enqueue_dma source(%dma_start3A_35 : memref<632x128xf32, #tpu.memory_space<hbm>>) target(%dma_start3A_33 : memref<632x128xf32, #tpu.memory_space<vmem_shared>>) target_semaphore(%run_scoped3A : memref<!tpu.dma_semaphore, #tpu.memory_space<semaphore_mem>>)
          %dma_wait3A = arith.constant 0 : i32
          %dma_wait3A_36 = tpu.memref_slice %arg10[%mul3A_0, %dma_wait3A] : memref<10112x128xf32, #tpu.memory_space<vmem_shared>> -> memref<632x128xf32, #tpu.memory_space<vmem_shared>>
          %dma_wait3A_37 = arith.constant 0 : i32
          %dma_wait3A_38 = tpu.memref_slice %arg5[%mul3A_0, %dma_wait3A_37] : memref<10000x128xf32, #tpu.memory_space<hbm>> -> memref<632x128xf32, #tpu.memory_space<hbm>>
          tpu.wait_dma2 semaphore(%run_scoped3A : memref<!tpu.dma_semaphore, #tpu.memory_space<semaphore_mem>>) src(%dma_wait3A_38 : memref<632x128xf32, #tpu.memory_space<hbm>>) dst(%dma_wait3A_36 : memref<632x128xf32, #tpu.memory_space<vmem_shared>>)
          tpu.yield
        }) : () -> ()
      } else {
      }
      %eq3A_22 = arith.constant 15 : i32
      %eq3A_23 = arith.cmpi eq, %arg1, %eq3A_22 : i32
      %convert_element_type3A_24 = arith.extui %eq3A_23 : i1 to i32
      %cond3A_25 = arith.constant 0 : i32
      %cond3A_26 = arith.cmpi ne, %convert_element_type3A_24, %cond3A_25 : i32
      scf.if %cond3A_26 {
        "tpu.region"() ({
          %run_scoped3A = tpu.sem_alloc : memref<!tpu.dma_semaphore, #tpu.memory_space<semaphore_mem>>
          %dma_start3A = arith.constant 0 : i32
          %dma_start3A_33 = tpu.memref_slice %arg10[%mul3A_0, %dma_start3A] : memref<10112x128xf32, #tpu.memory_space<vmem_shared>> -> memref<520x128xf32, #tpu.memory_space<vmem_shared>>
          %dma_start3A_34 = arith.constant 0 : i32
          %dma_start3A_35 = tpu.memref_slice %arg5[%mul3A_0, %dma_start3A_34] : memref<10000x128xf32, #tpu.memory_space<hbm>> -> memref<520x128xf32, #tpu.memory_space<hbm>>
          tpu.enqueue_dma source(%dma_start3A_35 : memref<520x128xf32, #tpu.memory_space<hbm>>) target(%dma_start3A_33 : memref<520x128xf32, #tpu.memory_space<vmem_shared>>) target_semaphore(%run_scoped3A : memref<!tpu.dma_semaphore, #tpu.memory_space<semaphore_mem>>)
          %dma_wait3A = arith.constant 0 : i32
          %dma_wait3A_36 = tpu.memref_slice %arg10[%mul3A_0, %dma_wait3A] : memref<10112x128xf32, #tpu.memory_space<vmem_shared>> -> memref<520x128xf32, #tpu.memory_space<vmem_shared>>
          %dma_wait3A_37 = arith.constant 0 : i32
          %dma_wait3A_38 = tpu.memref_slice %arg5[%mul3A_0, %dma_wait3A_37] : memref<10000x128xf32, #tpu.memory_space<hbm>> -> memref<520x128xf32, #tpu.memory_space<hbm>>
          tpu.wait_dma2 semaphore(%run_scoped3A : memref<!tpu.dma_semaphore, #tpu.memory_space<semaphore_mem>>) src(%dma_wait3A_38 : memref<520x128xf32, #tpu.memory_space<hbm>>) dst(%dma_wait3A_36 : memref<520x128xf32, #tpu.memory_space<vmem_shared>>)
          tpu.yield
        }) : () -> ()
      } else {
      }
      %barrier3A_27 = arith.constant 0 : index
      tpu.barrier barrier_id(%barrier3A_27)
      %scan3A = arith.constant 0 : i32
      %scan3A_28 = arith.constant 0 : i32
      %scan3A_29 = arith.constant 80 : i32
      %scan3A_30 = arith.addi %scan3A_28, %scan3A_29 : i32
      %scan3A_31 = arith.constant 1 : i32
      scf.for %scan3A_33 = %scan3A_28 to %scan3A_30 step %scan3A_31  : i32 {
        %dma_start3A = arith.constant 0 : i32
        %dma_start3A_34 = tpu.memref_slice %arg7[%scan3A_33, %dma_start3A] : memref<80x128xi32, #tpu.memory_space<vmem>> -> memref<1x128xi32, #tpu.memory_space<vmem>>
        %dma_start3A_35 = tpu.memref_squeeze %dma_start3A_34 : memref<1x128xi32, #tpu.memory_space<vmem>> -> memref<128xi32, #tpu.memory_space<vmem>>
        %dma_start3A_36 = arith.constant 0 : i32
        %dma_start3A_37 = arith.constant 0 : i32
        %dma_start3A_38 = tpu.memref_slice %arg5[%dma_start3A_36, %dma_start3A_37] : memref<10000x128xf32, #tpu.memory_space<hbm>> -> memref<10000x128xf32, #tpu.memory_space<hbm>>
        tpu.enqueue_indirect_dma source(%dma_start3A_38 : memref<10000x128xf32, #tpu.memory_space<hbm>>) target(%arg9 : memref<128x128xf32, #tpu.memory_space<vmem>>) offsets(%dma_start3A_35 : memref<128xi32, #tpu.memory_space<vmem>>) semaphore(%arg11 : memref<!tpu.dma_semaphore, #tpu.memory_space<semaphore_mem>>)
        %dma_wait3A = arith.constant 0 : i32
        %dma_wait3A_39 = tpu.memref_slice %arg7[%scan3A_33, %dma_wait3A] : memref<80x128xi32, #tpu.memory_space<vmem>> -> memref<1x128xi32, #tpu.memory_space<vmem>>
        %dma_wait3A_40 = tpu.memref_squeeze %dma_wait3A_39 : memref<1x128xi32, #tpu.memory_space<vmem>> -> memref<128xi32, #tpu.memory_space<vmem>>
        %dma_wait3A_41 = arith.constant 0 : i32
        %dma_wait3A_42 = arith.constant 0 : i32
        %dma_wait3A_43 = tpu.memref_slice %arg5[%dma_wait3A_41, %dma_wait3A_42] : memref<10000x128xf32, #tpu.memory_space<hbm>> -> memref<10000x128xf32, #tpu.memory_space<hbm>>
        tpu.wait_indirect_dma semaphore(%arg11 : memref<!tpu.dma_semaphore, #tpu.memory_space<semaphore_mem>>) src(%dma_wait3A_43 : memref<10000x128xf32, #tpu.memory_space<hbm>>) dst(%arg9 : memref<128x128xf32, #tpu.memory_space<vmem>>)
        "tpu.region"() ({
          %run_scoped3A = tpu.sem_alloc : memref<!tpu.dma_semaphore, #tpu.memory_space<semaphore_mem>>
          %dma_start3A_44 = arith.constant 0 : i32
          %dma_start3A_45 = tpu.memref_slice %arg8[%scan3A_33, %dma_start3A_44] : memref<80x128xi32, #tpu.memory_space<vmem>> -> memref<1x128xi32, #tpu.memory_space<vmem>>
          %dma_start3A_46 = tpu.memref_squeeze %dma_start3A_45 : memref<1x128xi32, #tpu.memory_space<vmem>> -> memref<128xi32, #tpu.memory_space<vmem>>
          %dma_start3A_47 = arith.constant 0 : i32
          %dma_start3A_48 = arith.constant 0 : i32
          %dma_start3A_49 = tpu.memref_slice %arg10[%dma_start3A_47, %dma_start3A_48] : memref<10112x128xf32, #tpu.memory_space<vmem_shared>> -> memref<10112x128xf32, #tpu.memory_space<vmem_shared>>
          tpu.enqueue_indirect_dma source(%arg9 : memref<128x128xf32, #tpu.memory_space<vmem>>) target(%dma_start3A_49 : memref<10112x128xf32, #tpu.memory_space<vmem_shared>>) offsets(%dma_start3A_46 : memref<128xi32, #tpu.memory_space<vmem>>) semaphore(%run_scoped3A : memref<!tpu.dma_semaphore, #tpu.memory_space<semaphore_mem>>) {add = true}
          %dma_wait3A_50 = arith.constant 0 : i32
          %dma_wait3A_51 = tpu.memref_slice %arg8[%scan3A_33, %dma_wait3A_50] : memref<80x128xi32, #tpu.memory_space<vmem>> -> memref<1x128xi32, #tpu.memory_space<vmem>>
          %dma_wait3A_52 = tpu.memref_squeeze %dma_wait3A_51 : memref<1x128xi32, #tpu.memory_space<vmem>> -> memref<128xi32, #tpu.memory_space<vmem>>
          %dma_wait3A_53 = arith.constant 0 : i32
          %dma_wait3A_54 = arith.constant 0 : i32
          %dma_wait3A_55 = tpu.memref_slice %arg10[%dma_wait3A_53, %dma_wait3A_54] : memref<10112x128xf32, #tpu.memory_space<vmem_shared>> -> memref<10112x128xf32, #tpu.memory_space<vmem_shared>>
          tpu.wait_indirect_dma semaphore(%run_scoped3A : memref<!tpu.dma_semaphore, #tpu.memory_space<semaphore_mem>>) src(%arg9 : memref<128x128xf32, #tpu.memory_space<vmem>>) dst(%dma_wait3A_55 : memref<10112x128xf32, #tpu.memory_space<vmem_shared>>)
          tpu.yield
        }) : () -> ()
      }
      %scan3A_32 = arith.constant 80 : i32
    } else {
    }
    %barrier3A = arith.constant 0 : index
    tpu.barrier barrier_id(%barrier3A)
    %ne3A = arith.constant 15 : i32
    %ne3A_8 = arith.cmpi ne, %arg1, %ne3A : i32
    %convert_element_type3A_9 = arith.extui %ne3A_8 : i1 to i32
    %cond3A_10 = arith.constant 0 : i32
    %cond3A_11 = arith.cmpi ne, %convert_element_type3A_9, %cond3A_10 : i32
    scf.if %cond3A_11 {
      "tpu.region"() ({
        %run_scoped3A = tpu.sem_alloc : memref<!tpu.dma_semaphore, #tpu.memory_space<semaphore_mem>>
        %dma_start3A = arith.constant 0 : i32
        %dma_start3A_17 = tpu.memref_slice %arg6[%arg0, %mul3A_0, %dma_start3A] : memref<2x10000x128xf32, #tpu.memory_space<hbm>> -> memref<1x632x128xf32, #tpu.memory_space<hbm>>
        %dma_start3A_18 = tpu.memref_squeeze %dma_start3A_17 : memref<1x632x128xf32, #tpu.memory_space<hbm>> -> memref<632x128xf32, #tpu.memory_space<hbm>>
        %dma_start3A_19 = arith.constant 0 : i32
        %dma_start3A_20 = tpu.memref_slice %arg10[%mul3A_0, %dma_start3A_19] : memref<10112x128xf32, #tpu.memory_space<vmem_shared>> -> memref<632x128xf32, #tpu.memory_space<vmem_shared>>
        tpu.enqueue_dma source(%dma_start3A_20 : memref<632x128xf32, #tpu.memory_space<vmem_shared>>) target(%dma_start3A_18 : memref<632x128xf32, #tpu.memory_space<hbm>>) target_semaphore(%run_scoped3A : memref<!tpu.dma_semaphore, #tpu.memory_space<semaphore_mem>>)
        %dma_wait3A = arith.constant 0 : i32
        %dma_wait3A_21 = tpu.memref_slice %arg6[%arg0, %mul3A_0, %dma_wait3A] : memref<2x10000x128xf32, #tpu.memory_space<hbm>> -> memref<1x632x128xf32, #tpu.memory_space<hbm>>
        %dma_wait3A_22 = tpu.memref_squeeze %dma_wait3A_21 : memref<1x632x128xf32, #tpu.memory_space<hbm>> -> memref<632x128xf32, #tpu.memory_space<hbm>>
        %dma_wait3A_23 = arith.constant 0 : i32
        %dma_wait3A_24 = tpu.memref_slice %arg10[%mul3A_0, %dma_wait3A_23] : memref<10112x128xf32, #tpu.memory_space<vmem_shared>> -> memref<632x128xf32, #tpu.memory_space<vmem_shared>>
        tpu.wait_dma2 semaphore(%run_scoped3A : memref<!tpu.dma_semaphore, #tpu.memory_space<semaphore_mem>>) src(%dma_wait3A_24 : memref<632x128xf32, #tpu.memory_space<vmem_shared>>) dst(%dma_wait3A_22 : memref<632x128xf32, #tpu.memory_space<hbm>>)
        tpu.yield
      }) : () -> ()
    } else {
    }
    %eq3A_12 = arith.constant 15 : i32
    %eq3A_13 = arith.cmpi eq, %arg1, %eq3A_12 : i32
    %convert_element_type3A_14 = arith.extui %eq3A_13 : i1 to i32
    %cond3A_15 = arith.constant 0 : i32
    %cond3A_16 = arith.cmpi ne, %convert_element_type3A_14, %cond3A_15 : i32
    scf.if %cond3A_16 {
      "tpu.region"() ({
        %run_scoped3A = tpu.sem_alloc : memref<!tpu.dma_semaphore, #tpu.memory_space<semaphore_mem>>
        %dma_start3A = arith.constant 0 : i32
        %dma_start3A_17 = tpu.memref_slice %arg6[%arg0, %mul3A_0, %dma_start3A] : memref<2x10000x128xf32, #tpu.memory_space<hbm>> -> memref<1x520x128xf32, #tpu.memory_space<hbm>>
        %dma_start3A_18 = tpu.memref_squeeze %dma_start3A_17 : memref<1x520x128xf32, #tpu.memory_space<hbm>> -> memref<520x128xf32, #tpu.memory_space<hbm>>
        %dma_start3A_19 = arith.constant 0 : i32
        %dma_start3A_20 = tpu.memref_slice %arg10[%mul3A_0, %dma_start3A_19] : memref<10112x128xf32, #tpu.memory_space<vmem_shared>> -> memref<520x128xf32, #tpu.memory_space<vmem_shared>>
        tpu.enqueue_dma source(%dma_start3A_20 : memref<520x128xf32, #tpu.memory_space<vmem_shared>>) target(%dma_start3A_18 : memref<520x128xf32, #tpu.memory_space<hbm>>) target_semaphore(%run_scoped3A : memref<!tpu.dma_semaphore, #tpu.memory_space<semaphore_mem>>)
        %dma_wait3A = arith.constant 0 : i32
        %dma_wait3A_21 = tpu.memref_slice %arg6[%arg0, %mul3A_0, %dma_wait3A] : memref<2x10000x128xf32, #tpu.memory_space<hbm>> -> memref<1x520x128xf32, #tpu.memory_space<hbm>>
        %dma_wait3A_22 = tpu.memref_squeeze %dma_wait3A_21 : memref<1x520x128xf32, #tpu.memory_space<hbm>> -> memref<520x128xf32, #tpu.memory_space<hbm>>
        %dma_wait3A_23 = arith.constant 0 : i32
        %dma_wait3A_24 = tpu.memref_slice %arg10[%mul3A_0, %dma_wait3A_23] : memref<10112x128xf32, #tpu.memory_space<vmem_shared>> -> memref<520x128xf32, #tpu.memory_space<vmem_shared>>
        tpu.wait_dma2 semaphore(%run_scoped3A : memref<!tpu.dma_semaphore, #tpu.memory_space<semaphore_mem>>) src(%dma_wait3A_24 : memref<520x128xf32, #tpu.memory_space<vmem_shared>>) dst(%dma_wait3A_22 : memref<520x128xf32, #tpu.memory_space<hbm>>)
        tpu.yield
      }) : () -> ()
    } else {
    }
    return
  }
}

module attributes {stable_mosaic.version = 14 : i64} {
  func.func @_tc1_body(%arg0: i32, %arg1: memref<1000x256xf32, #tpu.memory_space<vmem>>, %arg2: memref<256x256xf32, #tpu.memory_space<vmem>>, %arg3: memref<2x1000x128xf32, #tpu.memory_space<vmem>>, %arg4: memref<1000x128xf32, #tpu.memory_space<vmem>>, %arg5: memref<1000x128xf32, #tpu.memory_space<vmem>>, %arg6: memref<1000x1xf32, #tpu.memory_space<vmem>>) attributes {dimension_semantics = [#tpu.dimension_semantics<arbitrary>], iteration_bounds = array<i64: 10>, scalar_prefetch = 0 : i64, scratch_operands = 0 : i64, tpu.core_type = #tpu.core_type<tc>, window_params = [{transform_indices = @transform_0, window_bounds = array<i64: 1000, 256>}, {pipeline_mode = #tpu.pipeline_mode<synchronous>, transform_indices = @transform_1, window_bounds = array<i64: 256, 256>}, {transform_indices = @transform_2, window_bounds = array<i64: 2, 1000, 128>}, {transform_indices = @transform_3, window_bounds = array<i64: 1000, 128>}, {transform_indices = @transform_4, window_bounds = array<i64: 1000, 128>}, {transform_indices = @transform_5, window_bounds = array<i64: 1000, 1>}]} {
    %get3A = arith.constant 0 : index
    %get3A_0 = arith.constant 0 : index
    %get3A_1 = arith.constant 0 : index
    %get3A_2 = vector.load %arg3[%get3A, %get3A_0, %get3A_1] : memref<2x1000x128xf32, #tpu.memory_space<vmem>>, vector<1x1000x1xf32>
    %get3A_3 = vector.shape_cast %get3A_2 : vector<1x1000x1xf32> to vector<1000x1xf32>
    %get3A_4 = arith.constant 1 : index
    %get3A_5 = arith.constant 0 : index
    %get3A_6 = arith.constant 0 : index
    %get3A_7 = vector.load %arg3[%get3A_4, %get3A_5, %get3A_6] : memref<2x1000x128xf32, #tpu.memory_space<vmem>>, vector<1x1000x1xf32>
    %get3A_8 = vector.shape_cast %get3A_7 : vector<1x1000x1xf32> to vector<1000x1xf32>
    %add3A = arith.addf %get3A_3, %get3A_8 : vector<1000x1xf32>
    %add3A_9 = arith.constant 1.000000e+00 : f32
    %add3A_10 = vector.broadcast %add3A_9 : f32 to vector<1000x1xf32>
    %add3A_11 = arith.addf %add3A, %add3A_10 : vector<1000x1xf32>
    %rsqrt3A = math.rsqrt %add3A_11 : vector<1000x1xf32>
    %get3A_12 = arith.constant 0 : index
    %get3A_13 = arith.constant 0 : index
    %get3A_14 = vector.load %arg1[%get3A_12, %get3A_13] : memref<1000x256xf32, #tpu.memory_space<vmem>>, vector<1000x256xf32>
    %get3A_15 = arith.constant 0 : index
    %get3A_16 = arith.constant 0 : index
    %get3A_17 = vector.load %arg2[%get3A_15, %get3A_16] : memref<256x256xf32, #tpu.memory_space<vmem>>, vector<256x256xf32>
    %dot_general3A = arith.constant dense<0.000000e+00> : vector<1000x256xf32>
    %dot_general3A_18 = tpu.matmul %get3A_14, %get3A_17, %dot_general3A {dimension_numbers = #tpu.dot_dimension_numbers<[1], [0], [0], [1], [0, 0, 1, 1], [], []>, transpose_lhs_hint = false} : vector<1000x256xf32>, vector<256x256xf32>, vector<1000x256xf32> -> vector<1000x256xf32>
    %mul3A = vector.broadcast %rsqrt3A : vector<1000x1xf32> to vector<1000x256xf32>
    %mul3A_19 = arith.mulf %dot_general3A_18, %mul3A : vector<1000x256xf32>
    %slice3A = vector.extract_strided_slice %mul3A_19 {offsets = [0, 0], sizes = [1000, 128], strides = [1, 1]} : vector<1000x256xf32> to vector<1000x128xf32>
    %swap3A = arith.constant 0 : index
    %swap3A_20 = arith.constant 0 : index
    %swap3A_21 = vector.load %arg4[%swap3A, %swap3A_20] : memref<1000x128xf32, #tpu.memory_space<vmem>>, vector<1000x128xf32>
    tpu.vector_store %arg4[%swap3A, %swap3A_20], %slice3A {strides = array<i32>} : memref<1000x128xf32, #tpu.memory_space<vmem>>, vector<1000x128xf32>,
    %slice3A_22 = vector.extract_strided_slice %mul3A_19 {offsets = [0, 128], sizes = [1000, 128], strides = [1, 1]} : vector<1000x256xf32> to vector<1000x128xf32>
    %swap3A_23 = arith.constant 0 : index
    %swap3A_24 = arith.constant 0 : index
    %swap3A_25 = vector.load %arg5[%swap3A_23, %swap3A_24] : memref<1000x128xf32, #tpu.memory_space<vmem>>, vector<1000x128xf32>
    tpu.vector_store %arg5[%swap3A_23, %swap3A_24], %slice3A_22 {strides = array<i32>} : memref<1000x128xf32, #tpu.memory_space<vmem>>, vector<1000x128xf32>,
    %swap3A_26 = arith.constant 0 : index
    %swap3A_27 = arith.constant 0 : index
    %swap3A_28 = vector.load %arg6[%swap3A_26, %swap3A_27] : memref<1000x1xf32, #tpu.memory_space<vmem>>, vector<1000x1xf32>
    tpu.vector_store %arg6[%swap3A_26, %swap3A_27], %rsqrt3A {strides = array<i32>} : memref<1000x1xf32, #tpu.memory_space<vmem>>, vector<1000x1xf32>,
    return
  }
  func.func @transform_0(%arg0: i32) -> (i32, i32) {
    %c0_i32 = arith.constant 0 : i32
    %c0_i32_0 = arith.constant 0 : i32
    return %arg0, %c0_i32 : i32, i32
  }
  func.func @transform_1(%arg0: i32) -> (i32, i32) {
    %c0_i32 = arith.constant 0 : i32
    %c0_i32_0 = arith.constant 0 : i32
    %c0_i32_1 = arith.constant 0 : i32
    return %c0_i32, %c0_i32_0 : i32, i32
  }
  func.func @transform_2(%arg0: i32) -> (i32, i32, i32) {
    %c0_i32 = arith.constant 0 : i32
    %c0_i32_0 = arith.constant 0 : i32
    %c0_i32_1 = arith.constant 0 : i32
    return %c0_i32, %arg0, %c0_i32_0 : i32, i32, i32
  }
  func.func @transform_3(%arg0: i32) -> (i32, i32) {
    %c0_i32 = arith.constant 0 : i32
    %c0_i32_0 = arith.constant 0 : i32
    return %arg0, %c0_i32 : i32, i32
  }
  func.func @transform_4(%arg0: i32) -> (i32, i32) {
    %c0_i32 = arith.constant 0 : i32
    %c0_i32_0 = arith.constant 0 : i32
    return %arg0, %c0_i32 : i32, i32
  }
  func.func @transform_5(%arg0: i32) -> (i32, i32) {
    %c0_i32 = arith.constant 0 : i32
    %c0_i32_0 = arith.constant 0 : i32
    return %arg0, %c0_i32 : i32, i32
  }
}

module attributes {stable_mosaic.version = 14 : i64} {
  func.func @_tc2_body(%arg0: i32, %arg1: memref<2x1000x128xf32, #tpu.memory_space<vmem>>, %arg2: memref<1000x1xf32, #tpu.memory_space<vmem>>, %arg3: memref<256x64xf32, #tpu.memory_space<vmem>>, %arg4: memref<1x256xf32, #tpu.memory_space<vmem>>, %arg5: memref<1000x128xf32, #tpu.memory_space<vmem>>) attributes {dimension_semantics = [#tpu.dimension_semantics<arbitrary>], iteration_bounds = array<i64: 10>, scalar_prefetch = 0 : i64, scratch_operands = 0 : i64, tpu.core_type = #tpu.core_type<tc>, window_params = [{transform_indices = @transform_0, window_bounds = array<i64: 2, 1000, 128>}, {transform_indices = @transform_1, window_bounds = array<i64: 1000, 1>}, {pipeline_mode = #tpu.pipeline_mode<synchronous>, transform_indices = @transform_2, window_bounds = array<i64: 256, 64>}, {pipeline_mode = #tpu.pipeline_mode<synchronous>, transform_indices = @transform_3, window_bounds = array<i64: 1, 256>}, {transform_indices = @transform_4, window_bounds = array<i64: 1000, 128>}]} {
    %get3A = arith.constant 0 : index
    %get3A_0 = arith.constant 0 : index
    %get3A_1 = vector.load %arg2[%get3A, %get3A_0] : memref<1000x1xf32, #tpu.memory_space<vmem>>, vector<1000x1xf32>
    %get3A_2 = arith.constant 0 : index
    %get3A_3 = arith.constant 0 : index
    %get3A_4 = arith.constant 0 : index
    %get3A_5 = vector.load %arg1[%get3A_2, %get3A_3, %get3A_4] : memref<2x1000x128xf32, #tpu.memory_space<vmem>>, vector<1x1000x128xf32>
    %get3A_6 = vector.shape_cast %get3A_5 : vector<1x1000x128xf32> to vector<1000x128xf32>
    %get3A_7 = arith.constant 1 : index
    %get3A_8 = arith.constant 0 : index
    %get3A_9 = arith.constant 0 : index
    %get3A_10 = vector.load %arg1[%get3A_7, %get3A_8, %get3A_9] : memref<2x1000x128xf32, #tpu.memory_space<vmem>>, vector<1x1000x128xf32>
    %get3A_11 = vector.shape_cast %get3A_10 : vector<1x1000x128xf32> to vector<1000x128xf32>
    %concatenate3A = tpu.concatenate %get3A_6, %get3A_11 in 1 : vector<1000x128xf32>, vector<1000x128xf32> -> vector<1000x256xf32>
    %mul3A = vector.broadcast %get3A_1 : vector<1000x1xf32> to vector<1000x256xf32>
    %mul3A_12 = arith.mulf %concatenate3A, %mul3A : vector<1000x256xf32>
    %get3A_13 = arith.constant 0 : index
    %get3A_14 = arith.constant 0 : index
    %get3A_15 = vector.load %arg4[%get3A_13, %get3A_14] : memref<1x256xf32, #tpu.memory_space<vmem>>, vector<1x256xf32>
    %add3A = vector.broadcast %get3A_15 : vector<1x256xf32> to vector<1000x256xf32>
    %add3A_16 = arith.addf %mul3A_12, %add3A : vector<1000x256xf32>
    %max3A = arith.constant 0.000000e+00 : f32
    %max3A_17 = vector.broadcast %max3A : f32 to vector<1000x256xf32>
    %max3A_18 = arith.maximumf %add3A_16, %max3A_17 : vector<1000x256xf32>
    %get3A_19 = arith.constant 0 : index
    %get3A_20 = arith.constant 0 : index
    %get3A_21 = vector.load %arg3[%get3A_19, %get3A_20] : memref<256x64xf32, #tpu.memory_space<vmem>>, vector<256x64xf32>
    %dot_general3A = arith.constant dense<0.000000e+00> : vector<1000x64xf32>
    %dot_general3A_22 = tpu.matmul %max3A_18, %get3A_21, %dot_general3A {dimension_numbers = #tpu.dot_dimension_numbers<[1], [0], [0], [1], [0, 0, 1, 1], [], []>, transpose_lhs_hint = false} : vector<1000x256xf32>, vector<256x64xf32>, vector<1000x64xf32> -> vector<1000x64xf32>
    %mul3A_23 = vector.broadcast %get3A_1 : vector<1000x1xf32> to vector<1000x64xf32>
    %mul3A_24 = arith.mulf %dot_general3A_22, %mul3A_23 : vector<1000x64xf32>
    %broadcast_in_dim3A = arith.constant 0.000000e+00 : f32
    %broadcast_in_dim3A_25 = vector.broadcast %broadcast_in_dim3A : f32 to vector<1000x64xf32>
    %concatenate3A_26 = tpu.concatenate %mul3A_24, %broadcast_in_dim3A_25 in 1 : vector<1000x64xf32>, vector<1000x64xf32> -> vector<1000x128xf32>
    %swap3A = arith.constant 0 : index
    %swap3A_27 = arith.constant 0 : index
    %swap3A_28 = vector.load %arg5[%swap3A, %swap3A_27] : memref<1000x128xf32, #tpu.memory_space<vmem>>, vector<1000x128xf32>
    tpu.vector_store %arg5[%swap3A, %swap3A_27], %concatenate3A_26 {strides = array<i32>} : memref<1000x128xf32, #tpu.memory_space<vmem>>, vector<1000x128xf32>,
    return
  }
  func.func @transform_0(%arg0: i32) -> (i32, i32, i32) {
    %c0_i32 = arith.constant 0 : i32
    %c0_i32_0 = arith.constant 0 : i32
    %c0_i32_1 = arith.constant 0 : i32
    return %c0_i32, %arg0, %c0_i32_0 : i32, i32, i32
  }
  func.func @transform_1(%arg0: i32) -> (i32, i32) {
    %c0_i32 = arith.constant 0 : i32
    %c0_i32_0 = arith.constant 0 : i32
    return %arg0, %c0_i32 : i32, i32
  }
  func.func @transform_2(%arg0: i32) -> (i32, i32) {
    %c0_i32 = arith.constant 0 : i32
    %c0_i32_0 = arith.constant 0 : i32
    %c0_i32_1 = arith.constant 0 : i32
    return %c0_i32, %c0_i32_0 : i32, i32
  }
  func.func @transform_3(%arg0: i32) -> (i32, i32) {
    %c0_i32 = arith.constant 0 : i32
    %c0_i32_0 = arith.constant 0 : i32
    %c0_i32_1 = arith.constant 0 : i32
    return %c0_i32, %c0_i32_0 : i32, i32
  }
  func.func @transform_4(%arg0: i32) -> (i32, i32) {
    %c0_i32 = arith.constant 0 : i32
    %c0_i32_0 = arith.constant 0 : i32
    return %arg0, %c0_i32 : i32, i32
  }
}

module attributes {stable_mosaic.version = 14 : i64} {
  func.func @_tc3_body(%arg0: i32, %arg1: memref<2x1000x128xf32, #tpu.memory_space<vmem>>, %arg2: memref<1000x1xf32, #tpu.memory_space<vmem>>, %arg3: memref<1x64xf32, #tpu.memory_space<vmem>>, %arg4: memref<1000x64xf32, #tpu.memory_space<vmem>>) attributes {dimension_semantics = [#tpu.dimension_semantics<arbitrary>], iteration_bounds = array<i64: 10>, scalar_prefetch = 0 : i64, scratch_operands = 0 : i64, tpu.core_type = #tpu.core_type<tc>, window_params = [{transform_indices = @transform_0, window_bounds = array<i64: 2, 1000, 128>}, {transform_indices = @transform_1, window_bounds = array<i64: 1000, 1>}, {pipeline_mode = #tpu.pipeline_mode<synchronous>, transform_indices = @transform_2, window_bounds = array<i64: 1, 64>}, {transform_indices = @transform_3, window_bounds = array<i64: 1000, 64>}]} {
    %get3A = arith.constant 0 : index
    %get3A_0 = arith.constant 0 : index
    %get3A_1 = arith.constant 0 : index
    %get3A_2 = vector.load %arg1[%get3A, %get3A_0, %get3A_1] : memref<2x1000x128xf32, #tpu.memory_space<vmem>>, vector<1x1000x64xf32>
    %get3A_3 = vector.shape_cast %get3A_2 : vector<1x1000x64xf32> to vector<1000x64xf32>
    %get3A_4 = arith.constant 1 : index
    %get3A_5 = arith.constant 0 : index
    %get3A_6 = arith.constant 0 : index
    %get3A_7 = vector.load %arg1[%get3A_4, %get3A_5, %get3A_6] : memref<2x1000x128xf32, #tpu.memory_space<vmem>>, vector<1x1000x64xf32>
    %get3A_8 = vector.shape_cast %get3A_7 : vector<1x1000x64xf32> to vector<1000x64xf32>
    %add3A = arith.addf %get3A_3, %get3A_8 : vector<1000x64xf32>
    %get3A_9 = arith.constant 0 : index
    %get3A_10 = arith.constant 0 : index
    %get3A_11 = vector.load %arg2[%get3A_9, %get3A_10] : memref<1000x1xf32, #tpu.memory_space<vmem>>, vector<1000x1xf32>
    %mul3A = vector.broadcast %get3A_11 : vector<1000x1xf32> to vector<1000x64xf32>
    %mul3A_12 = arith.mulf %add3A, %mul3A : vector<1000x64xf32>
    %get3A_13 = arith.constant 0 : index
    %get3A_14 = arith.constant 0 : index
    %get3A_15 = vector.load %arg3[%get3A_13, %get3A_14] : memref<1x64xf32, #tpu.memory_space<vmem>>, vector<1x64xf32>
    %add3A_16 = vector.broadcast %get3A_15 : vector<1x64xf32> to vector<1000x64xf32>
    %add3A_17 = arith.addf %mul3A_12, %add3A_16 : vector<1000x64xf32>
    %swap3A = arith.constant 0 : index
    %swap3A_18 = arith.constant 0 : index
    %swap3A_19 = vector.load %arg4[%swap3A, %swap3A_18] : memref<1000x64xf32, #tpu.memory_space<vmem>>, vector<1000x64xf32>
    tpu.vector_store %arg4[%swap3A, %swap3A_18], %add3A_17 {strides = array<i32>} : memref<1000x64xf32, #tpu.memory_space<vmem>>, vector<1000x64xf32>,
    return
  }
  func.func @transform_0(%arg0: i32) -> (i32, i32, i32) {
    %c0_i32 = arith.constant 0 : i32
    %c0_i32_0 = arith.constant 0 : i32
    %c0_i32_1 = arith.constant 0 : i32
    return %c0_i32, %arg0, %c0_i32_0 : i32, i32, i32
  }
  func.func @transform_1(%arg0: i32) -> (i32, i32) {
    %c0_i32 = arith.constant 0 : i32
    %c0_i32_0 = arith.constant 0 : i32
    return %arg0, %c0_i32 : i32, i32
  }
  func.func @transform_2(%arg0: i32) -> (i32, i32) {
    %c0_i32 = arith.constant 0 : i32
    %c0_i32_0 = arith.constant 0 : i32
    %c0_i32_1 = arith.constant 0 : i32
    return %c0_i32, %c0_i32_0 : i32, i32
  }
  func.func @transform_3(%arg0: i32) -> (i32, i32) {
    %c0_i32 = arith.constant 0 : i32
    %c0_i32_0 = arith.constant 0 : i32
    return %arg0, %c0_i32 : i32, i32
  }
}

</mosaic_0001>

<sc_bundles>
// kernel: kernel.11.cloned.1.call-start
scs
__scs_entry_jumppad:
0x0: {  	(pc) =	sbr.rel $0x88, $3  }
0x1: {  	(tag) =	ssettag $0x0;
	lr =	simm.s32 $0x1  }
0x2: {  	[smem:$0x3F9B] =	sst lr;
	_ =	strace $0xD0000000  }
0x3: {  	_ = 	snop  }
0x4: {  	_ = 	snop  }
0x5: {  	_ = 	snop  }
0x6: {  	_ = 	snop  }
0x7: {  	_ = 	snop  }
__scs_overlays_trampoline_lowered:
0x8: {  	[smem:$0x3FAA] =	sst s0  }
0x9: {  	[smem:$0x3FAB] =	sst s1  }
0xa: {  	[smem:$0x3FAC] =	sst s2  }
0xb: {  	[smem:$0x3FAD] =	sst s3  }
0xc: {  	[smem:$0x3FAE] =	sst s4  }
0xd: {  	[smem:$0x3FAF] =	sst s5  }
0xe: {  	[smem:$0x3FB0] =	sst s6  }
0xf: {  	[smem:$0x3FB1] =	sst s7  }
0x10: {  	[smem:$0x3FB2] =	sst s8  }
0x11: {  	[smem:$0x3FB3] =	sst s9;
	s0 =	simm.s32 @!p0 $0x0  }
0x12: {  	s1 =	sld [smem:$0x3F99];
	s0 =	simm.s32 @p0 $0x1  }
0x13: {  	[smem:$0x3FB4] =	sst s0;
	s0 =	simm.s32 @!p1 $0x0  }
0x14: {  	s2 =	sld [smem:$0x3F98];
	s0 =	simm.s32 @p1 $0x1  }
0x15: {  	[smem:$0x3FB5] =	sst s0;
	s0 =	simm.s32 @!p2 $0x0  }
0x16: {  	s3 =	sld [smem:$0x3FDB];
	s0 =	simm.s32 @p2 $0x1  }
0x17: {  	s4 =	simm.s32 $0x1BF5;
	[smem:$0x3FB7] =	sst s0  }
0x18: {  	s0 =	sld [smem:$0x3F9A];
	_ =	swait.ge [sflag:s4], $0x0  }
0x19: {  	s7 =	sld [smem:$0x3F9B]  }
0x1a: {  	s8 =	sadd.s32 $0xFFFFE003, lr  }
0x1b: {  	s9 =	sadd.s32 $0xFFFFFEF7, lr;
	s5 =	simm.s32 $0xFFFFFFFF;
	p2 =	slt.u32 s8, $0xFFFFF086  }
0x1c: {  	p1 =	slt.u32 s9, $0xF7A;
	s5 =	simm.s32 @!p2 $0x0  }
0x1d: {  	s5 =	simm.s32 @p1 $0x1;
	p0 =	seq.s32 s7, s2  }
0x1e: {  	s7 =	smul.u32 @!p0 $0xF7A, s2;
	p2 =	seq.s32 @!p0 s5, $0x0  }
0x1f: {  	s9 =	smul.u32 $0xF7A, s1;
	s8 =	simm.s32 @!p0 $0x1BF5;
	p2 =	por !p2, p0  }
0x20: {  	[sflag:s8] =	ssyncset.s32 @!p0 $0xFFFFF086;
	s6 =	sadd.s32 @!p0 s3, s7;
	s7 =	simm.s32 @!p0 $0x108  }
0x21: {  	s3 =	sadd.s32 s3, s9;
	s6 =	sadd.s32 @!p0 $0x88, s6;
	s7 =	simm.s32 @p2 $0x1082  }
0x22: {  	[simem:s7], [sflag:s8] =	dma.local @!p0 [hbm:s6], $0xF7A  }
0x23: {  	s9 =	sor.u32 $0xD0000000, s2;
	s6 =	simm.s32 $0x108;
	_ =	swait.ge @!p0 [sflag:s8], $0x0  }
0x24: {  	s3 =	sadd.s32 $0x88, s3;
	s6 =	simm.s32 @!p1 $0x1082;
	[sflag:s4] =	ssyncset.s32 $0xFFFFF086  }
0x25: {  	[simem:s6], [sflag:s4] =	dma.local [hbm:s3], $0xF7A  }
0x26: {  	[smem:$0x3F9B] =	sst s1;
	(tag) =	ssettag s2;
	_ =	strace s9  }
0x27: {  	s1 =	sld [smem:$0x3FAB]  }
0x28: {  	s2 =	sld [smem:$0x3FAC]  }
0x29: {  	s4 =	sld [smem:$0x3FAE]  }
0x2a: {  	p0 =	seq.s32 s5, $0x0;
	s5 =	sld [smem:$0x3FAF]  }
0x2b: {  	s6 =	sld [smem:$0x3FB0]  }
0x2c: {  	s7 =	sld [smem:$0x3FB1]  }
0x2d: {  	s3 =	simm.s32 $0x108;
	s8 =	sld [smem:$0x3FB2]  }
0x2e: {  	s3 =	simm.s32 @!p0 $0x1082;
	s9 =	sld [smem:$0x3FB3]  }
0x2f: {  	lr =	sadd.s32 s0, s3;
	s0 =	sld [smem:$0x3FAA]  }
0x30: {  	s3 =	sld [smem:$0x3FAD]  }
0x31: {  	[smem:$0x3FB6] =	sst s10  }
0x32: {  	s10 =	sld [smem:$0x3FB4];
	_ =	sdelay $0x3  }
0x33: {  	p0 =	seq.s32 s10, $0x1;
	s10 =	sld [smem:$0x3FB6];
	_ =	sdelay $0x3  }
0x34: {  	[smem:$0x3FB6] =	sst s10  }
0x35: {  	s10 =	sld [smem:$0x3FB5];
	_ =	sdelay $0x3  }
0x36: {  	p1 =	seq.s32 s10, $0x1;
	s10 =	sld [smem:$0x3FB6];
	_ =	sdelay $0x3  }
0x37: {  	[smem:$0x3FB6] =	sst s10  }
0x38: {  	s10 =	sld [smem:$0x3FB7]  }
0x39: {  	_ = 	snop;
	(pc) =	sbr.ind lr, $3  }
0x3a: {  	_ = 	snop  }
0x3b: {  	_ = 	snop  }
0x3c: {  	p2 =	seq.s32 s10, $0x1;
	s10 =	sld [smem:$0x3FB6]  }
0x3d: {  	_ =	shalt  }
0x3e: {  	_ =	shalt  }
0x3f: {  	_ =	shalt  }
0x40: {  	_ =	shalt  }
0x41: {  	_ =	shalt  }
0x42: {  	_ =	shalt  }
0x43: {  	_ =	shalt  }
0x44: {  	_ =	shalt  }
0x45: {  	_ =	shalt  }
0x46: {  	_ =	shalt  }
0x47: {  	_ =	shalt  }
0x48: {  	_ =	shalt  }
0x49: {  	_ =	shalt  }
0x4a: {  	_ =	shalt  }
0x4b: {  	_ =	shalt  }
0x4c: {  	_ =	shalt  }
0x4d: {  	_ =	shalt  }
0x4e: {  	_ =	shalt  }
0x4f: {  	_ =	shalt  }
0x50: {  	_ =	shalt  }
0x51: {  	_ =	shalt  }
0x52: {  	_ =	shalt  }
0x53: {  	_ =	shalt  }
0x54: {  	_ =	shalt  }
0x55: {  	_ =	shalt  }
0x56: {  	_ =	shalt  }
0x57: {  	_ =	shalt  }
0x58: {  	_ =	shalt  }
0x59: {  	_ =	shalt  }
0x5a: {  	_ =	shalt  }
0x5b: {  	_ =	shalt  }
0x5c: {  	_ =	shalt  }
0x5d: {  	_ =	shalt  }
0x5e: {  	_ =	shalt  }
0x5f: {  	_ =	shalt  }
0x60: {  	_ =	shalt  }
0x61: {  	_ =	shalt  }
0x62: {  	_ =	shalt  }
0x63: {  	_ =	shalt  }
0x64: {  	_ =	shalt  }
0x65: {  	_ =	shalt  }
0x66: {  	_ =	shalt  }
0x67: {  	_ =	shalt  }
0x68: {  	_ =	shalt  }
0x69: {  	_ =	shalt  }
0x6a: {  	_ =	shalt  }
0x6b: {  	_ =	shalt  }
0x6c: {  	_ =	shalt  }
0x6d: {  	_ =	shalt  }
0x6e: {  	_ =	shalt  }
0x6f: {  	_ =	shalt  }
0x70: {  	_ =	shalt  }
0x71: {  	_ =	shalt  }
0x72: {  	_ =	shalt  }
0x73: {  	_ =	shalt  }
0x74: {  	_ =	shalt  }
0x75: {  	_ =	shalt  }
0x76: {  	_ =	shalt  }
0x77: {  	_ =	shalt  }
0x78: {  	_ =	shalt  }
0x79: {  	_ =	shalt  }
0x7a: {  	_ =	shalt  }
0x7b: {  	_ =	shalt  }
0x7c: {  	_ =	shalt  }
0x7d: {  	_ =	shalt  }
0x7e: {  	_ =	shalt  }
0x7f: {  	_ =	shalt  }
0x80: {  	_ =	shalt  }
0x81: {  	_ =	shalt  }
0x82: {  	_ =	shalt  }
0x83: {  	_ =	shalt  }
0x84: {  	_ =	shalt  }
0x85: {  	_ =	shalt  }
0x86: {  	_ =	shalt  }
0x87: {  	_ =	shalt  }
.Lfunc_end0:
.L_simem_size_0:
called_computation.1_lowered:
.L_overlay_start_0:
0x88: {  	s2 =	sld [smem:$0x3FD9]  }
0x89: {  	s3 =	sld [smem:$0x3FFE];
	_ =	sdelay $0x1  }
0x8a: {  	s1 =	srdreg.scid  }
0x8b: {  	s0 =	sand.u32 $0x1, s1  }
0x8c: {  	s17 =	sshll.u32 s0, $0xA;
	s2 =	sadd.s32 s3, s2  }
0x8d: {  	s2 =	sadd.s32 s2, s17  }
0x8e: {  	[smem:$0x3FC2] =	sst s2  }
0x8f: {  	_ = 	snop  }
0x90: {  	s2 =	sld [smem:$0x3FD0];
	(tm) =	ssettm $0x1  }
0x91: {  	s18 =	sld [smem:$0x3FFB];
	_ =	sdelay $0x3  }
0x92: {  	_ =	strace s18  }
0x93: {  	s3 =	sld [smem:$0x3FFC];
	_ =	sdelay $0x3  }
0x94: {  	_ =	strace s3  }
0x95: {  	s3 =	sld [smem:$0x3FFD];
	_ =	sdelay $0x3  }
0x96: {  	_ =	strace s3  }
0x97: {  	_ =	strace $0x8FFFFFFF  }
0x98: {  	s19 =	sld [smem:$0x3FDB];
	_ =	sdelay $0x1  }
0x99: {  	s4 =	simm.s32 $_scs_section_size  }
0x9a: {  	s5 =	simm.s32 $_size__tile_overlayer_lowered;
	s6 =	simm.s32 $_tile_overlayer_lowered  }
0x9b: {  	s22 =	simm.s32 $0x1BFF;
	s21 =	sshll.u32 s6, $0x1;
	s3 =	sadd.s32 s4, s19  }
0x9c: {  	s7 =	simm.s32 $0x0;
	s20 =	sshll.u32 s5, $0x1;
	s5 =	sadd.s32 s21, s3  }
0x9d: {  	[timem:s7], [sflag:s22] =	dma.local [hbm:s5], s20  }
0x9e: {  	_ =	swait.ge [sflag:s22], s20  }
0x9f: {  	s4 =	ssub.s32 $0x0, s20;
	[sflag:s22] =	ssyncset.done $0x0  }
0xa0: {  	[sflag:s22] =	ssyncadd.s32 s4;
	_ =	sdelay $0x1  }
0xa1: {  	s23 =	simm.s32 $0x1B8B  }
0xa2: {  	_ =	swait.ge [sflag:s23], $0x1  }
0xa3: {  	[sflag:s23] =	ssyncset.done $0x0  }
0xa4: {  	s25 =	simm.s32 $0x1B8E;
	s24 =	sld [smem:$0x3FFE];
	[sflag:s23] =	ssyncadd.s32 $0xFFFFFFFF  }
0xa5: {  	s26 =	simm.s32 $execute0_lowered;
	[smem:$0x3FD2] =	sst s25  }
0xa6: {  	s5 =	sshll.u32 s26, $0x1;
	_ =	strace $0x80000049;
	[dreg:$0x1] =	wrdreg $0xFFFFFFFF  }
0xa7: {  	s28 =	simm.s32 $_size_execute0_lowered;
	s3 =	sadd.s32 s3, s5;
	[dreg:$0x0] =	wrdreg $0x0  }
0xa8: {  	s5 =	sshll.u32 s28, $0x1;
	[dreg:$0x2] =	wrdreg s3  }
0xa9: {  	[dreg:$0x3] =	wrdreg s5  }
0xaa: {  	[dreg:$0x4] =	wrdreg $0xC0  }
0xab: {  	_ =	task [dreg:s7], $0x5FFFF  }
0xac: {  	[dreg:$0x1] =	wrdreg $0xFFFFFFFF  }
0xad: {  	[dreg:$0x0] =	wrdreg $0x60  }
0xae: {  	[dreg:$0x2] =	wrdreg s2  }
0xaf: {  	[dreg:$0x3] =	wrdreg s24  }
0xb0: {  	[dreg:$0x4] =	wrdreg $0x90000  }
0xb1: {  	[dreg:$0x5] =	wrdreg $0x9  }
0xb2: {  	_ =	task.clear_ibuf [dreg:s7], $0x6FFFF;
	_ =	strace $0x90000049  }
0xb3: {  	s29 =	simm.s32 $0x9;
	_ =	strace $0x8000004B  }
0xb4: {  	_ =	swait.ge [sflag:s29], $0x1  }
0xb5: {  	[sflag:s29] =	ssyncadd.s32 $0xFFFFFFFF  }
0xb6: {  	_ =	strace $0x9000004B  }
0xb7: {  	_ =	sfence  }
0xb8: {  	s30 =	sld [smem:$0x0];
	_ =	sdelay $0x2  }
0xb9: {  	s31 =	sshll.u32 s1, $0xD;
	s1 =	sshrl.u32 s1, $0x2  }
0xba: {  	s3 =	sand.u32 $0x4000, s31;
	s1 =	sadd.s32 s1, s30  }
0xbb: {  	s0 =	sor.u32 s3, s0;
	s1 =	sshll.u32 s1, $0x11  }
0xbc: {  	s0 =	sor.u32 s1, s0  }
0xbd: {  	s0 =	sadd.s32 $0x8F2B, s0  }
0xbe: {  	[sflag:s0] =	ssyncadd.remote.s32 $0x1  }
0xbf: {  	_ =	sfence.sel $0xFFFF  }
0xc0: {  	[dreg:$0x0] =	wrdreg $0xFFFFFFFF;
	(pc) =	sbr.abs _section_cstart, $3  }
0xc1: {  	[dreg:$0x1] =	wrdreg $0xFFFFFFFF  }
0xc2: {  	_ =	task.clear_ibuf [dreg:s7], $0x2FFFF;
	_ =	strace $0x9FFFFFFF  }
0xc3: {  	(tm) =	ssettm $0x7FFFFFFF  }
tec
execute0_lowered:
.L_overlay_start_1:
0x0: {  	(tag) =	ssettag $0x1  }
0x1: {  	s6 =	rddreg [dreg:$0x0]  }
0x2: {  	s11 =	rddreg [dreg:$0x1]  }
0x3: {  	s2 =	rddreg [dreg:$0x2]  }
0x4: {  	s0 =	rddreg [dreg:$0x3];
	s3 =	simm.s32 $0x0  }
0x5: {  	s1 =	stileid.u32;
	s5 =	srdreg.scid;
	s20 =	simm.s32 $0x80  }
0x6: {  	s21 =	simm.s32 $0x5000;
	s22 =	simm.s32 $0x1;
	s7 =	smul.u32 $0x500, s1  }
0x7: {  	s23 =	simm.s32 $0x0;
	[smem:$0x7FF] =	sst s3;
	s12 =	smul.u32 $0x4F000, s1  }
0x8: {  	s4 =	sadd.s32 $0x2DA00, s11;
	s9 =	sand.u32 $0x1, s5;
	s15 =	smul.u32 $0x2780, s1  }
0x9: {  	s5 =	sadd.s32 $0x54C00, s11;
	s13 =	sadd.s32 $0x7BE00, s11;
	s30 =	smul.u32 $0x13C00, s1  }
0xa: {  	p1 =	seq.s32 s1, $0xF;
	_ =	strace $0x8000004A;
	s10 =	ssub.s32 $0x2, s9  }
0xb: {  	s28 =	smul.u32 $0x138800, s9;
	p0 =	seq.s32 s9, $0x1;
	s9 =	sadd.s32 $0x52A80, s11  }
0xc: {  	s18 =	sshll.u32 @!p1 s1, $0x6;
	s8 =	sadd.s32 s7, s11;
	s14 =	sshrl.u32 s10, $0x1  }
0xd: {  	s6 =	sadd.s32 s6, s7;
	s29 =	sshrl.u32 s12, $0x2;
	s11 =	sadd.s32 $0x79C80, s11  }
0xe: {  	s18 =	sor.u32 @!p1 $0x1C02, s18;
	s14 =	ssub.s32 s10, s14;
	s7 =	sadd.s32 $0x1800, s8  }
.Ltmp0:
0xf: {  	s19 =	sadd.s32 s29, s2;
	s8 =	sadd.s32 s4, s15;
	(pc) =	sbr.rel .LBB2_1-.Ltmp0, $4  }
0x10: {  	s12 =	sadd.s32 s30, s28;
	s16 =	sshrl.u32 s28, $0x3;
	s10 =	sadd.s32 s5, s15  }
0x11: {  	s15 =	simm.s32 $0x2;
	s12 =	sshrl.u32 s12, $0x3;
	s31 =	sadd.s32 s13, s16  }
0x12: {  	s14 =	smax.u32 s14, $0x1;
	s16 =	simm.s32 $0x2800;
	s17 =	sshrl.u32 @p1 s19, $0x3  }
0x13: {  	s19 =	sshrl.u32 @!p1 s19, $0x3;
	s12 =	sadd.s32 s13, s12;
	s13 =	sadd.s32 $0x25080, s31  }
.LBB2_7:
0x14: {  	s24 =	sshra.s32 s24, $0x2;
	[sflag:s15] =	ssyncadd.s32 $0xFFFFC000  }
0x15: {  	[tilespmem:s21], [sflag:$0x1] =	stream.indirect.gather [hbm4b:s5+s20], $0x80, s24, s20, $0xb8;
	[tilespmem:$0x1CC00] =	vst v63  }
0x16: {  	_ =	swait.ge [sflag:s22], $0x4000  }
0x17: {  	[sflag:s22] =	ssyncset.done $0x0  }
0x18: {  	s24 =	sadd.s32 $0x2800, s24;
	[sflag:s22] =	ssyncadd.s32 $0xFFFFC000  }
0x19: {  	[spmem:s2] =	stream.indirect.scatter.add.f32 [tilespmem:s21], [sflag:$0x2], $0x80, s24, s20, $0xb8;
	[tilespmem:$0x1CC00] =	vst v63  }
0x1a: {  	_ =	swait.ge [sflag:s15], $0x4000  }
0x1b: {  	[sflag:s15] =	ssyncset.done $0x0  }
0x1c: {  	[sflag:s15] =	ssyncadd.s32 $0xFFFFC000  }
.LBB2_8:
0x1d: {  	[bflag:$0x0] =	sbarrier.arrive $0xFFFF;
	s24 =	simm.s32 @p1 $0x1FC2  }
0x1e: {  	[hbm:s13], [sflag:s24] =	dma.local @p1 [spmem:s17], $0x2080  }
0x1f: {  	s24 =	simm.s32 @p1 $0x2  }
0x20: {  	s23 =	sadd.s32 $0x1, s23;
	_ =	swait.ge @p1 [sflag:s24], $0x2080  }
0x21: {  	p2 =	sne.s32 s23, s14;
	[sflag:s24] =	ssyncset.done @p1 $0x0  }
.Ltmp1:
0x22: {  	[sflag:s24] =	ssyncadd.s32 @p1 $0xFFFFDF80;
	s24 =	simm.s32 @!p1 $0x2;
	(pc) =	sbr.rel @!p2 .LBB2_9-.Ltmp1, $4  }
0x23: {  	[hbm:s12], [sflag:s18] =	dma.local @!p1 [spmem:s19], $0x2780  }
0x24: {  	_ =	swait.ge @!p1 [sflag:s24], $0x2780  }
0x25: {  	[sflag:s24] =	ssyncset.done @!p1 $0x0  }
0x26: {  	[sflag:s24] =	ssyncadd.s32 @!p1 $0xFFFFD880  }
.LBB2_1:
0x27: {  	[tilespmem:s3], [sflag:$0x2] =	stream.linear.gather [hbm4b:s6+s3], $0x2800, $0x38;
	[tilespmem:$0x1CC00] =	vst v63  }
0x28: {  	_ =	swait.ge [sflag:s15], $0x2800  }
0x29: {  	[sflag:s15] =	ssyncset.done $0x0  }
.Ltmp2:
0x2a: {  	[sflag:s15] =	ssyncadd.s32 $0xFFFFD800;
	(pc) =	sbr.rel @!p0 .LBB2_2-.Ltmp2, $4  }
0x2b: {  	[tilespmem:s16], [sflag:$0x2] =	stream.linear.gather [hbm4b:s7+s3], $0x2800, $0x38;
	[tilespmem:$0x1CC00] =	vst v63  }
0x2c: {  	_ =	swait.ge [sflag:s15], $0x2800  }
0x2d: {  	[sflag:s15] =	ssyncset.done $0x0  }
0x2e: {  	[sflag:s15] =	ssyncadd.s32 $0xFFFFD800  }
0x2f: {  	s24 =	simm.s32 @p1 $0x1FC2  }
0x30: {  	[spmem:s17], [sflag:s24] =	dma.local @p1 [hbm:s11], $0x2080  }
0x31: {  	s24 =	simm.s32 @p1 $0x2  }
0x32: {  	_ =	swait.ge @p1 [sflag:s24], $0x2080  }
0x33: {  	[sflag:s24] =	ssyncset.done @p1 $0x0  }
0x34: {  	[sflag:s24] =	ssyncadd.s32 @p1 $0xFFFFDF80;
	s24 =	simm.s32 @!p1 $0x2  }
0x35: {  	[spmem:s19], [sflag:s18] =	dma.local @!p1 [hbm:s10], $0x2780  }
0x36: {  	_ =	swait.ge @!p1 [sflag:s24], $0x2780  }
0x37: {  	[sflag:s24] =	ssyncset.done @!p1 $0x0  }
0x38: {  	[sflag:s24] =	ssyncadd.s32 @!p1 $0xFFFFD880  }
0x39: {  	s30 =	simm.s32 $0x0;
	[bflag:$0x0] =	sbarrier.arrive $0xFFFF  }
0x3a: {  	[tilespmem:s21], [sflag:$0x1] =	stream.indirect.gather [hbm4b:s5+s20], $0x80, s30, s20, $0xb8;
	[tilespmem:$0x1CC00] =	vst v63  }
0x3b: {  	_ =	swait.ge [sflag:s22], $0x4000  }
0x3c: {  	[sflag:s22] =	ssyncset.done $0x0  }
0x3d: {  	s31 =	simm.s32 $0x2800;
	[sflag:s22] =	ssyncadd.s32 $0xFFFFC000  }
0x3e: {  	[spmem:s2] =	stream.indirect.scatter.add.f32 [tilespmem:s21], [sflag:$0x2], $0x80, s31, s20, $0xb8;
	[tilespmem:$0x1CC00] =	vst v63  }
0x3f: {  	_ =	swait.ge [sflag:s15], $0x4000  }
0x40: {  	s25 =	simm.s32 $0x400;
	s24 =	simm.s32 $0x200;
	[sflag:s15] =	ssyncset.done $0x0  }
.LBB2_6:
0x41: {  	s26 =	sshra.s32 s24, $0x2  }
0x42: {  	[sflag:s15] =	ssyncadd.s32 $0xFFFFC000;
	s24 =	smov.u32 s25;
	s28 =	sadd.s32 $0x200, s25  }
0x43: {  	[tilespmem:s21], [sflag:$0x1] =	stream.indirect.gather [hbm4b:s5+s20], $0x80, s26, s20, $0xb8;
	[tilespmem:$0x1CC00] =	vst v63  }
0x44: {  	p2 =	sne.s32 s25, $0x9E00;
	_ =	swait.ge [sflag:s22], $0x4000  }
.Ltmp3:
0x45: {  	[sflag:s22] =	ssyncset.done $0x0;
	(pc) =	sbr.rel @p2 .LBB2_6-.Ltmp3, $4  }
0x46: {  	s25 =	sadd.s32 $0x2800, s26;
	[sflag:s22] =	ssyncadd.s32 $0xFFFFC000  }
0x47: {  	[spmem:s2] =	stream.indirect.scatter.add.f32 [tilespmem:s21], [sflag:$0x2], $0x80, s25, s20, $0xb8;
	[tilespmem:$0x1CC00] =	vst v63  }
0x48: {  	_ =	swait.ge [sflag:s15], $0x4000  }
0x49: {  	s25 =	smov.u32 s28;
	[sflag:s15] =	ssyncset.done $0x0  }
.Ltmp4:
0x4a: {  	_ = 	snop;
	(pc) =	sbr.rel .LBB2_7-.Ltmp4, $1  }
0x4b: {  	_ =	sdelay $0x3  }
.LBB2_2:
0x4c: {  	s24 =	simm.s32 @p1 $0x1FC2  }
0x4d: {  	[spmem:s17], [sflag:s24] =	dma.local @p1 [hbm:s9], $0x2080  }
0x4e: {  	s24 =	simm.s32 @p1 $0x2  }
0x4f: {  	_ =	swait.ge @p1 [sflag:s24], $0x2080  }
0x50: {  	[sflag:s24] =	ssyncset.done @p1 $0x0  }
0x51: {  	[sflag:s24] =	ssyncadd.s32 @p1 $0xFFFFDF80;
	s24 =	simm.s32 @!p1 $0x2  }
0x52: {  	[spmem:s19], [sflag:s18] =	dma.local @!p1 [hbm:s8], $0x2780  }
0x53: {  	_ =	swait.ge @!p1 [sflag:s24], $0x2780  }
0x54: {  	[sflag:s24] =	ssyncset.done @!p1 $0x0  }
0x55: {  	[sflag:s24] =	ssyncadd.s32 @!p1 $0xFFFFD880  }
0x56: {  	s30 =	simm.s32 $0x0;
	[bflag:$0x0] =	sbarrier.arrive $0xFFFF  }
0x57: {  	[tilespmem:s21], [sflag:$0x1] =	stream.indirect.gather [hbm4b:s4+s20], $0x80, s30, s20, $0xb8;
	[tilespmem:$0x1CC00] =	vst v63  }
0x58: {  	_ =	swait.ge [sflag:s22], $0x4000  }
0x59: {  	[sflag:s22] =	ssyncset.done $0x0  }
0x5a: {  	s31 =	simm.s32 $0x2800;
	[sflag:s22] =	ssyncadd.s32 $0xFFFFC000  }
0x5b: {  	[spmem:s2] =	stream.indirect.scatter.add.f32 [tilespmem:s21], [sflag:$0x2], $0x80, s31, s20, $0xb8;
	[tilespmem:$0x1CC00] =	vst v63  }
0x5c: {  	_ =	swait.ge [sflag:s15], $0x4000  }
0x5d: {  	s25 =	simm.s32 $0x400;
	s24 =	simm.s32 $0x200;
	[sflag:s15] =	ssyncset.done $0x0  }
.LBB2_3:
0x5e: {  	s26 =	sshra.s32 s24, $0x2  }
0x5f: {  	[sflag:s15] =	ssyncadd.s32 $0xFFFFC000;
	s24 =	smov.u32 s25;
	s28 =	sadd.s32 $0x200, s25  }
0x60: {  	[tilespmem:s21], [sflag:$0x1] =	stream.indirect.gather [hbm4b:s4+s20], $0x80, s26, s20, $0xb8;
	[tilespmem:$0x1CC00] =	vst v63  }
0x61: {  	p2 =	seq.s32 s25, $0x9E00;
	_ =	swait.ge [sflag:s22], $0x4000  }
.Ltmp5:
0x62: {  	[sflag:s22] =	ssyncset.done $0x0;
	(pc) =	sbr.rel @!p2 .LBB2_3-.Ltmp5, $4  }
0x63: {  	s25 =	sadd.s32 $0x2800, s26;
	[sflag:s22] =	ssyncadd.s32 $0xFFFFC000  }
0x64: {  	[spmem:s2] =	stream.indirect.scatter.add.f32 [tilespmem:s21], [sflag:$0x2], $0x80, s25, s20, $0xb8;
	[tilespmem:$0x1CC00] =	vst v63  }
0x65: {  	_ =	swait.ge [sflag:s15], $0x4000  }
0x66: {  	s25 =	smov.u32 s28;
	[sflag:s15] =	ssyncset.done $0x0  }
0x67: {  	s24 =	sshra.s32 s24, $0x2;
	[sflag:s15] =	ssyncadd.s32 $0xFFFFC000  }
0x68: {  	[tilespmem:s21], [sflag:$0x1] =	stream.indirect.gather [hbm4b:s4+s20], $0x80, s24, s20, $0xb8;
	[tilespmem:$0x1CC00] =	vst v63  }
0x69: {  	_ =	swait.ge [sflag:s22], $0x4000  }
0x6a: {  	[sflag:s22] =	ssyncset.done $0x0  }
.Ltmp6:
0x6b: {  	s24 =	sadd.s32 $0x2800, s24;
	[sflag:s22] =	ssyncadd.s32 $0xFFFFC000;
	(pc) =	sbr.rel .LBB2_8-.Ltmp6, $4  }
0x6c: {  	[spmem:s2] =	stream.indirect.scatter.add.f32 [tilespmem:s21], [sflag:$0x2], $0x80, s24, s20, $0xb8;
	[tilespmem:$0x1CC00] =	vst v63  }
0x6d: {  	_ =	swait.ge [sflag:s15], $0x4000  }
0x6e: {  	[sflag:s15] =	ssyncset.done $0x0  }
0x6f: {  	[sflag:s15] =	ssyncadd.s32 $0xFFFFC000  }
.LBB2_9:
0x70: {  	_ =	sfence.sel $0x180000  }
0x71: {  	[bflag:$0x0] =	sbarrier.arrive $0xFFFF  }
0x72: {  	p0 =	sne.s32 s1, $0x0;
	_ =	strace $0x9000004A  }
0x73: {  	s0 =	sadd.s32 @!p0 $0x100000, s0;
	[bflag:$0x2] =	sbarrier.arrive $0xFFFF  }
0x74: {  	[sflag:s0] =	ssyncadd.tile.s32 @!p0 $0x1;
	_ =	shalt  }
.Lfunc_end2:
_tile_overlayer_lowered:
.L_overlay_start_2:
0x75: {  	(tag) =	ssettag $0x2  }
0x76: {  	s0 =	rddreg [dreg:$0x0];
	s2 =	stileid.u32  }
0x77: {  	s1 =	rddreg [dreg:$0x1];
	p0 =	sne.s32 s2, $0x0  }
0x78: {  	s3 =	rddreg [dreg:$0x2];
	[bflag:$0x3] =	sbarrier.arrive $0xFFFF;
	s2 =	simm.s32 @!p0 $0x1C02  }
0x79: {  	[timem:s3], [sflag:s2] =	dma.local @!p0 [hbm:s0], s1  }
0x7a: {  	s0 =	simm.s32 @!p0 $0x2  }
0x7b: {  	_ =	swait.ge @!p0 [sflag:s0], s1  }
0x7c: {  	s1 =	ssub.s32 @!p0 $0x0, s1;
	[sflag:s0] =	ssyncset.done @!p0 $0x0  }
0x7d: {  	[sflag:s0] =	ssyncadd.s32 @!p0 s1  }
0x7e: {  	[bflag:$0x3] =	sbarrier.arrive $0xFFFF  }
0x7f: {  	_ =	shalt  }

// kernel: kernel.14.cloned.1.call-start
scs
__scs_entry_jumppad:
0x0: {  	(pc) =	sbr.rel $0x88, $3  }
0x1: {  	(tag) =	ssettag $0x0;
	lr =	simm.s32 $0x1  }
0x2: {  	[smem:$0x3F9B] =	sst lr;
	_ =	strace $0xD0000000  }
0x3: {  	_ = 	snop  }
0x4: {  	_ = 	snop  }
0x5: {  	_ = 	snop  }
0x6: {  	_ = 	snop  }
0x7: {  	_ = 	snop  }
__scs_overlays_trampoline_lowered:
0x8: {  	[smem:$0x3FAA] =	sst s0  }
0x9: {  	[smem:$0x3FAB] =	sst s1  }
0xa: {  	[smem:$0x3FAC] =	sst s2  }
0xb: {  	[smem:$0x3FAD] =	sst s3  }
0xc: {  	[smem:$0x3FAE] =	sst s4  }
0xd: {  	[smem:$0x3FAF] =	sst s5  }
0xe: {  	[smem:$0x3FB0] =	sst s6  }
0xf: {  	[smem:$0x3FB1] =	sst s7  }
0x10: {  	[smem:$0x3FB2] =	sst s8  }
0x11: {  	[smem:$0x3FB3] =	sst s9;
	s0 =	simm.s32 @!p0 $0x0  }
0x12: {  	s1 =	sld [smem:$0x3F99];
	s0 =	simm.s32 @p0 $0x1  }
0x13: {  	[smem:$0x3FB4] =	sst s0;
	s0 =	simm.s32 @!p1 $0x0  }
0x14: {  	s2 =	sld [smem:$0x3F98];
	s0 =	simm.s32 @p1 $0x1  }
0x15: {  	[smem:$0x3FB5] =	sst s0;
	s0 =	simm.s32 @!p2 $0x0  }
0x16: {  	s3 =	sld [smem:$0x3FDB];
	s0 =	simm.s32 @p2 $0x1  }
0x17: {  	s4 =	simm.s32 $0x1BF5;
	[smem:$0x3FB7] =	sst s0  }
0x18: {  	s0 =	sld [smem:$0x3F9A];
	_ =	swait.ge [sflag:s4], $0x0  }
0x19: {  	s7 =	sld [smem:$0x3F9B]  }
0x1a: {  	s8 =	sadd.s32 $0xFFFFE003, lr  }
0x1b: {  	s9 =	sadd.s32 $0xFFFFFEF7, lr;
	s5 =	simm.s32 $0xFFFFFFFF;
	p2 =	slt.u32 s8, $0xFFFFF086  }
0x1c: {  	p1 =	slt.u32 s9, $0xF7A;
	s5 =	simm.s32 @!p2 $0x0  }
0x1d: {  	s5 =	simm.s32 @p1 $0x1;
	p0 =	seq.s32 s7, s2  }
0x1e: {  	s7 =	smul.u32 @!p0 $0xF7A, s2;
	p2 =	seq.s32 @!p0 s5, $0x0  }
0x1f: {  	s9 =	smul.u32 $0xF7A, s1;
	s8 =	simm.s32 @!p0 $0x1BF5;
	p2 =	por !p2, p0  }
0x20: {  	[sflag:s8] =	ssyncset.s32 @!p0 $0xFFFFF086;
	s6 =	sadd.s32 @!p0 s3, s7;
	s7 =	simm.s32 @!p0 $0x108  }
0x21: {  	s3 =	sadd.s32 s3, s9;
	s6 =	sadd.s32 @!p0 $0x88, s6;
	s7 =	simm.s32 @p2 $0x1082  }
0x22: {  	[simem:s7], [sflag:s8] =	dma.local @!p0 [hbm:s6], $0xF7A  }
0x23: {  	s9 =	sor.u32 $0xD0000000, s2;
	s6 =	simm.s32 $0x108;
	_ =	swait.ge @!p0 [sflag:s8], $0x0  }
0x24: {  	s3 =	sadd.s32 $0x88, s3;
	s6 =	simm.s32 @!p1 $0x1082;
	[sflag:s4] =	ssyncset.s32 $0xFFFFF086  }
0x25: {  	[simem:s6], [sflag:s4] =	dma.local [hbm:s3], $0xF7A  }
0x26: {  	[smem:$0x3F9B] =	sst s1;
	(tag) =	ssettag s2;
	_ =	strace s9  }
0x27: {  	s1 =	sld [smem:$0x3FAB]  }
0x28: {  	s2 =	sld [smem:$0x3FAC]  }
0x29: {  	s4 =	sld [smem:$0x3FAE]  }
0x2a: {  	p0 =	seq.s32 s5, $0x0;
	s5 =	sld [smem:$0x3FAF]  }
0x2b: {  	s6 =	sld [smem:$0x3FB0]  }
0x2c: {  	s7 =	sld [smem:$0x3FB1]  }
0x2d: {  	s3 =	simm.s32 $0x108;
	s8 =	sld [smem:$0x3FB2]  }
0x2e: {  	s3 =	simm.s32 @!p0 $0x1082;
	s9 =	sld [smem:$0x3FB3]  }
0x2f: {  	lr =	sadd.s32 s0, s3;
	s0 =	sld [smem:$0x3FAA]  }
0x30: {  	s3 =	sld [smem:$0x3FAD]  }
0x31: {  	[smem:$0x3FB6] =	sst s10  }
0x32: {  	s10 =	sld [smem:$0x3FB4];
	_ =	sdelay $0x3  }
0x33: {  	p0 =	seq.s32 s10, $0x1;
	s10 =	sld [smem:$0x3FB6];
	_ =	sdelay $0x3  }
0x34: {  	[smem:$0x3FB6] =	sst s10  }
0x35: {  	s10 =	sld [smem:$0x3FB5];
	_ =	sdelay $0x3  }
0x36: {  	p1 =	seq.s32 s10, $0x1;
	s10 =	sld [smem:$0x3FB6];
	_ =	sdelay $0x3  }
0x37: {  	[smem:$0x3FB6] =	sst s10  }
0x38: {  	s10 =	sld [smem:$0x3FB7]  }
0x39: {  	_ = 	snop;
	(pc) =	sbr.ind lr, $3  }
0x3a: {  	_ = 	snop  }
0x3b: {  	_ = 	snop  }
0x3c: {  	p2 =	seq.s32 s10, $0x1;
	s10 =	sld [smem:$0x3FB6]  }
0x3d: {  	_ =	shalt  }
0x3e: {  	_ =	shalt  }
0x3f: {  	_ =	shalt  }
0x40: {  	_ =	shalt  }
0x41: {  	_ =	shalt  }
0x42: {  	_ =	shalt  }
0x43: {  	_ =	shalt  }
0x44: {  	_ =	shalt  }
0x45: {  	_ =	shalt  }
0x46: {  	_ =	shalt  }
0x47: {  	_ =	shalt  }
0x48: {  	_ =	shalt  }
0x49: {  	_ =	shalt  }
0x4a: {  	_ =	shalt  }
0x4b: {  	_ =	shalt  }
0x4c: {  	_ =	shalt  }
0x4d: {  	_ =	shalt  }
0x4e: {  	_ =	shalt  }
0x4f: {  	_ =	shalt  }
0x50: {  	_ =	shalt  }
0x51: {  	_ =	shalt  }
0x52: {  	_ =	shalt  }
0x53: {  	_ =	shalt  }
0x54: {  	_ =	shalt  }
0x55: {  	_ =	shalt  }
0x56: {  	_ =	shalt  }
0x57: {  	_ =	shalt  }
0x58: {  	_ =	shalt  }
0x59: {  	_ =	shalt  }
0x5a: {  	_ =	shalt  }
0x5b: {  	_ =	shalt  }
0x5c: {  	_ =	shalt  }
0x5d: {  	_ =	shalt  }
0x5e: {  	_ =	shalt  }
0x5f: {  	_ =	shalt  }
0x60: {  	_ =	shalt  }
0x61: {  	_ =	shalt  }
0x62: {  	_ =	shalt  }
0x63: {  	_ =	shalt  }
0x64: {  	_ =	shalt  }
0x65: {  	_ =	shalt  }
0x66: {  	_ =	shalt  }
0x67: {  	_ =	shalt  }
0x68: {  	_ =	shalt  }
0x69: {  	_ =	shalt  }
0x6a: {  	_ =	shalt  }
0x6b: {  	_ =	shalt  }
0x6c: {  	_ =	shalt  }
0x6d: {  	_ =	shalt  }
0x6e: {  	_ =	shalt  }
0x6f: {  	_ =	shalt  }
0x70: {  	_ =	shalt  }
0x71: {  	_ =	shalt  }
0x72: {  	_ =	shalt  }
0x73: {  	_ =	shalt  }
0x74: {  	_ =	shalt  }
0x75: {  	_ =	shalt  }
0x76: {  	_ =	shalt  }
0x77: {  	_ =	shalt  }
0x78: {  	_ =	shalt  }
0x79: {  	_ =	shalt  }
0x7a: {  	_ =	shalt  }
0x7b: {  	_ =	shalt  }
0x7c: {  	_ =	shalt  }
0x7d: {  	_ =	shalt  }
0x7e: {  	_ =	shalt  }
0x7f: {  	_ =	shalt  }
0x80: {  	_ =	shalt  }
0x81: {  	_ =	shalt  }
0x82: {  	_ =	shalt  }
0x83: {  	_ =	shalt  }
0x84: {  	_ =	shalt  }
0x85: {  	_ =	shalt  }
0x86: {  	_ =	shalt  }
0x87: {  	_ =	shalt  }
.Lfunc_end0:
.L_simem_size_0:
called_computation.2_lowered:
.L_overlay_start_0:
0x88: {  	s2 =	sld [smem:$0x3FD9]  }
0x89: {  	s3 =	sld [smem:$0x3FFE];
	_ =	sdelay $0x1  }
0x8a: {  	s1 =	srdreg.scid  }
0x8b: {  	s0 =	sand.u32 $0x1, s1  }
0x8c: {  	s17 =	sshll.u32 s0, $0xA;
	s2 =	sadd.s32 s3, s2  }
0x8d: {  	s2 =	sadd.s32 s2, s17  }
0x8e: {  	[smem:$0x3FC2] =	sst s2  }
0x8f: {  	_ = 	snop  }
0x90: {  	s2 =	sld [smem:$0x3FD0];
	(tm) =	ssettm $0x1  }
0x91: {  	s18 =	sld [smem:$0x3FFB];
	_ =	sdelay $0x3  }
0x92: {  	_ =	strace s18  }
0x93: {  	s3 =	sld [smem:$0x3FFC];
	_ =	sdelay $0x3  }
0x94: {  	_ =	strace s3  }
0x95: {  	s3 =	sld [smem:$0x3FFD];
	_ =	sdelay $0x3  }
0x96: {  	_ =	strace s3  }
0x97: {  	_ =	strace $0x8FFFFFFF  }
0x98: {  	s19 =	sld [smem:$0x3FDB];
	_ =	sdelay $0x1  }
0x99: {  	s4 =	simm.s32 $_scs_section_size  }
0x9a: {  	s5 =	simm.s32 $_size__tile_overlayer_lowered;
	s6 =	simm.s32 $_tile_overlayer_lowered  }
0x9b: {  	s22 =	simm.s32 $0x1BFF;
	s21 =	sshll.u32 s6, $0x1;
	s3 =	sadd.s32 s4, s19  }
0x9c: {  	s7 =	simm.s32 $0x0;
	s20 =	sshll.u32 s5, $0x1;
	s5 =	sadd.s32 s21, s3  }
0x9d: {  	[timem:s7], [sflag:s22] =	dma.local [hbm:s5], s20  }
0x9e: {  	_ =	swait.ge [sflag:s22], s20  }
0x9f: {  	s4 =	ssub.s32 $0x0, s20;
	[sflag:s22] =	ssyncset.done $0x0  }
0xa0: {  	[sflag:s22] =	ssyncadd.s32 s4;
	_ =	sdelay $0x1  }
0xa1: {  	s23 =	simm.s32 $0x1B8B  }
0xa2: {  	_ =	swait.ge [sflag:s23], $0x1  }
0xa3: {  	[sflag:s23] =	ssyncset.done $0x0  }
0xa4: {  	s25 =	simm.s32 $0x1B8E;
	s24 =	sld [smem:$0x3FFE];
	[sflag:s23] =	ssyncadd.s32 $0xFFFFFFFF  }
0xa5: {  	s26 =	simm.s32 $execute0_lowered;
	[smem:$0x3FD2] =	sst s25  }
0xa6: {  	s5 =	sshll.u32 s26, $0x1;
	_ =	strace $0x8000004C;
	[dreg:$0x1] =	wrdreg $0xFFFFFFFF  }
0xa7: {  	s28 =	simm.s32 $_size_execute0_lowered;
	s3 =	sadd.s32 s3, s5;
	[dreg:$0x0] =	wrdreg $0x0  }
0xa8: {  	s5 =	sshll.u32 s28, $0x1;
	[dreg:$0x2] =	wrdreg s3  }
0xa9: {  	[dreg:$0x3] =	wrdreg s5  }
0xaa: {  	[dreg:$0x4] =	wrdreg $0xC0  }
0xab: {  	_ =	task [dreg:s7], $0x5FFFF  }
0xac: {  	[dreg:$0x1] =	wrdreg $0xFFFFFFFF  }
0xad: {  	[dreg:$0x0] =	wrdreg $0x60  }
0xae: {  	[dreg:$0x2] =	wrdreg s2  }
0xaf: {  	[dreg:$0x3] =	wrdreg s24  }
0xb0: {  	[dreg:$0x4] =	wrdreg $0x68000  }
0xb1: {  	[dreg:$0x5] =	wrdreg $0x9  }
0xb2: {  	_ =	task.clear_ibuf [dreg:s7], $0x6FFFF;
	_ =	strace $0x9000004C  }
0xb3: {  	s29 =	simm.s32 $0x9;
	_ =	strace $0x8000004E  }
0xb4: {  	_ =	swait.ge [sflag:s29], $0x1  }
0xb5: {  	[sflag:s29] =	ssyncadd.s32 $0xFFFFFFFF  }
0xb6: {  	_ =	strace $0x9000004E  }
0xb7: {  	_ =	sfence  }
0xb8: {  	s30 =	sld [smem:$0x0];
	_ =	sdelay $0x2  }
0xb9: {  	s31 =	sshll.u32 s1, $0xD;
	s1 =	sshrl.u32 s1, $0x2  }
0xba: {  	s3 =	sand.u32 $0x4000, s31;
	s1 =	sadd.s32 s1, s30  }
0xbb: {  	s0 =	sor.u32 s3, s0;
	s1 =	sshll.u32 s1, $0x11  }
0xbc: {  	s0 =	sor.u32 s1, s0  }
0xbd: {  	s0 =	sadd.s32 $0x8F2B, s0  }
0xbe: {  	[sflag:s0] =	ssyncadd.remote.s32 $0x1  }
0xbf: {  	_ =	sfence.sel $0xFFFF  }
0xc0: {  	[dreg:$0x0] =	wrdreg $0xFFFFFFFF;
	(pc) =	sbr.abs _section_cstart, $3  }
0xc1: {  	[dreg:$0x1] =	wrdreg $0xFFFFFFFF  }
0xc2: {  	_ =	task.clear_ibuf [dreg:s7], $0x2FFFF;
	_ =	strace $0x9FFFFFFF  }
0xc3: {  	(tm) =	ssettm $0x7FFFFFFF  }
tec
execute0_lowered:
.L_overlay_start_1:
0x0: {  	(tag) =	ssettag $0x1  }
0x1: {  	s5 =	rddreg [dreg:$0x0];
	s1 =	srdreg.scid  }
0x2: {  	s0 =	stileid.u32;
	s11 =	rddreg [dreg:$0x1]  }
0x3: {  	s2 =	rddreg [dreg:$0x2];
	s3 =	simm.s32 $0x0;
	s23 =	simm.s32 $0x80  }
0x4: {  	s24 =	simm.s32 $0x2800;
	s25 =	simm.s32 $0x1;
	s7 =	sand.u32 $0x1, s1  }
0x5: {  	s26 =	sshll.u32 s0, $0x1;
	s1 =	rddreg [dreg:$0x3];
	s8 =	smul.u32 $0x2780, s0  }
0x6: {  	[smem:$0x7FF] =	sst s3;
	s14 =	sadd.s32 $0x54C00, s11;
	s28 =	smul.u32 $0x4F000, s0  }
0x7: {  	s16 =	smul.u32 $0x13C00, s0;
	s4 =	sor.u32 s7, s26;
	_ =	strace $0x8000004D  }
0x8: {  	s10 =	ssub.s32 $0x2, s7;
	s29 =	smul.u32 $0x138800, s7;
	p3 =	seq.s32 s7, $0x1  }
0x9: {  	s26 =	simm.s32 $0x0;
	s6 =	smul.u32 $0x280, s4;
	s4 =	sadd.s32 $0x2DA00, s11  }
0xa: {  	s12 =	sadd.s32 s8, s11;
	s13 =	sshrl.u32 s10, $0x1;
	s30 =	sshrl.u32 s28, $0x2  }
0xb: {  	p1 =	seq.s32 @p3 s0, $0xF;
	p4 =	seq.s32 @!p3 s0, $0xF;
	s15 =	ssub.s32 s10, s13  }
0xc: {  	s7 =	sadd.s32 s30, s2;
	s8 =	sadd.s32 s4, s8;
	s10 =	sadd.s32 $0x6800, s12  }
0xd: {  	s31 =	sadd.s32 s16, s29;
	s13 =	sshrl.u32 s29, $0x3;
	s16 =	simm.s32 $0x1400  }
0xe: {  	p0 =	por !p1, !p3;
	p1 =	por p1, !p3;
	p2 =	por p4, p3  }
0xf: {  	p3 =	por !p4, p3;
	p4 =	seq.s32 s0, $0xF;
	s9 =	sadd.s32 s6, s11  }
0x10: {  	s5 =	sadd.s32 s5, s6;
	s12 =	sshrl.u32 s31, $0x3;
	s13 =	sadd.s32 s14, s13  }
0x11: {  	s17 =	sshrl.u32 @!p0 s7, $0x3;
	s18 =	sshll.u32 @!p1 s0, $0x6;
	s21 =	sshll.u32 @!p2 s0, $0x6  }
0x12: {  	s19 =	sshrl.u32 @!p1 s7, $0x3;
	s20 =	sshrl.u32 @!p3 s7, $0x3;
	s22 =	sshrl.u32 @!p2 s7, $0x3  }
0x13: {  	s6 =	sadd.s32 $0x1800, s9;
	s9 =	sadd.s32 $0x52A80, s11;
	s11 =	sadd.s32 $0x2B880, s11  }
0x14: {  	s12 =	sadd.s32 s14, s12;
	s13 =	sadd.s32 $0x25080, s13;
	s14 =	smax.u32 s15, $0x1  }
0x15: {  	s15 =	simm.s32 $0x2;
	s18 =	sor.u32 @!p1 $0x1C02, s18;
	s21 =	sor.u32 @!p2 $0x1C02, s21  }
.LBB2_1:
0x16: {  	[tilespmem:s3], [sflag:$0x2] =	stream.linear.gather [hbm4b:s5+s3], $0x1400, $0x38;
	[tilespmem:$0x1A400] =	vst v63  }
0x17: {  	_ =	swait.ge [sflag:s15], $0x1400  }
0x18: {  	[sflag:s15] =	ssyncset.done $0x0  }
0x19: {  	[sflag:s15] =	ssyncadd.s32 $0xFFFFEC00  }
0x1a: {  	[tilespmem:s16], [sflag:$0x2] =	stream.linear.gather [hbm4b:s6+s3], $0x1400, $0x38;
	[tilespmem:$0x1A400] =	vst v63  }
0x1b: {  	_ =	swait.ge [sflag:s15], $0x1400  }
0x1c: {  	[sflag:s15] =	ssyncset.done $0x0  }
0x1d: {  	s28 =	simm.s32 @!p0 $0x1FC2;
	[sflag:s15] =	ssyncadd.s32 $0xFFFFEC00  }
0x1e: {  	[spmem:s17], [sflag:s28] =	dma.local @!p0 [hbm:s11], $0x2080  }
0x1f: {  	s28 =	simm.s32 @!p0 $0x2  }
0x20: {  	_ =	swait.ge @!p0 [sflag:s28], $0x2080  }
0x21: {  	[sflag:s28] =	ssyncset.done @!p0 $0x0  }
0x22: {  	[sflag:s28] =	ssyncadd.s32 @!p0 $0xFFFFDF80;
	s28 =	simm.s32 @!p1 $0x2  }
0x23: {  	[spmem:s19], [sflag:s18] =	dma.local @!p1 [hbm:s10], $0x2780  }
0x24: {  	_ =	swait.ge @!p1 [sflag:s28], $0x2780  }
0x25: {  	[sflag:s28] =	ssyncset.done @!p1 $0x0  }
0x26: {  	[sflag:s28] =	ssyncadd.s32 @!p1 $0xFFFFD880;
	s28 =	simm.s32 @!p3 $0x1FC2  }
0x27: {  	[spmem:s20], [sflag:s28] =	dma.local @!p3 [hbm:s9], $0x2080  }
0x28: {  	s28 =	simm.s32 @!p3 $0x2  }
0x29: {  	_ =	swait.ge @!p3 [sflag:s28], $0x2080  }
0x2a: {  	[sflag:s28] =	ssyncset.done @!p3 $0x0  }
0x2b: {  	[sflag:s28] =	ssyncadd.s32 @!p3 $0xFFFFDF80;
	s28 =	simm.s32 @!p2 $0x2  }
0x2c: {  	[spmem:s22], [sflag:s21] =	dma.local @!p2 [hbm:s8], $0x2780  }
0x2d: {  	_ =	swait.ge @!p2 [sflag:s28], $0x2780  }
0x2e: {  	[sflag:s28] =	ssyncset.done @!p2 $0x0  }
0x2f: {  	[sflag:s28] =	ssyncadd.s32 @!p2 $0xFFFFD880  }
0x30: {  	s28 =	simm.s32 $0x0;
	[bflag:$0x0] =	sbarrier.arrive $0xFFFF  }
0x31: {  	[tilespmem:s24], [sflag:$0x1] =	stream.indirect.gather [hbm4b:s4+s23], $0x80, s28, s23, $0xb8;
	[tilespmem:$0x1A400] =	vst v63  }
0x32: {  	_ =	swait.ge [sflag:s25], $0x4000  }
0x33: {  	[sflag:s25] =	ssyncset.done $0x0  }
0x34: {  	s28 =	simm.s32 $0x1400;
	[sflag:s25] =	ssyncadd.s32 $0xFFFFC000  }
0x35: {  	[spmem:s2] =	stream.indirect.scatter.add.f32 [tilespmem:s24], [sflag:$0x2], $0x80, s28, s23, $0xb8;
	[tilespmem:$0x1A400] =	vst v63  }
0x36: {  	_ =	swait.ge [sflag:s15], $0x4000  }
0x37: {  	s29 =	simm.s32 $0x400;
	s28 =	simm.s32 $0x200;
	[sflag:s15] =	ssyncset.done $0x0  }
.LBB2_2:
0x38: {  	s30 =	sshra.s32 s28, $0x2  }
0x39: {  	[sflag:s15] =	ssyncadd.s32 $0xFFFFC000;
	s28 =	smov.u32 s29;
	s31 =	sadd.s32 $0x200, s29  }
0x3a: {  	[tilespmem:s24], [sflag:$0x1] =	stream.indirect.gather [hbm4b:s4+s23], $0x80, s30, s23, $0xb8;
	[tilespmem:$0x1A400] =	vst v63  }
0x3b: {  	p5 =	sne.s32 s29, $0x4E00;
	_ =	swait.ge [sflag:s25], $0x4000  }
.Ltmp0:
0x3c: {  	[sflag:s25] =	ssyncset.done $0x0;
	(pc) =	sbr.rel @p5 .LBB2_2-.Ltmp0, $4  }
0x3d: {  	s29 =	sadd.s32 $0x1400, s30;
	[sflag:s25] =	ssyncadd.s32 $0xFFFFC000  }
0x3e: {  	[spmem:s2] =	stream.indirect.scatter.add.f32 [tilespmem:s24], [sflag:$0x2], $0x80, s29, s23, $0xb8;
	[tilespmem:$0x1A400] =	vst v63  }
0x3f: {  	_ =	swait.ge [sflag:s15], $0x4000  }
0x40: {  	s29 =	smov.u32 s31;
	[sflag:s15] =	ssyncset.done $0x0  }
0x41: {  	s28 =	sshra.s32 s28, $0x2;
	[sflag:s15] =	ssyncadd.s32 $0xFFFFC000  }
0x42: {  	[tilespmem:s24], [sflag:$0x1] =	stream.indirect.gather [hbm4b:s4+s23], $0x80, s28, s23, $0xb8;
	[tilespmem:$0x1A400] =	vst v63  }
0x43: {  	_ =	swait.ge [sflag:s25], $0x4000  }
0x44: {  	[sflag:s25] =	ssyncset.done $0x0  }
0x45: {  	s28 =	sadd.s32 $0x1400, s28;
	[sflag:s25] =	ssyncadd.s32 $0xFFFFC000  }
0x46: {  	[spmem:s2] =	stream.indirect.scatter.add.f32 [tilespmem:s24], [sflag:$0x2], $0x80, s28, s23, $0xb8;
	[tilespmem:$0x1A400] =	vst v63  }
0x47: {  	_ =	swait.ge [sflag:s15], $0x4000  }
0x48: {  	[sflag:s15] =	ssyncset.done $0x0  }
0x49: {  	[sflag:s15] =	ssyncadd.s32 $0xFFFFC000  }
0x4a: {  	s29 =	simm.s32 @p4 $0x1FC2;
	s28 =	sshrl.u32 @p4 s7, $0x3;
	[bflag:$0x0] =	sbarrier.arrive $0xFFFF  }
0x4b: {  	[hbm:s13], [sflag:s29] =	dma.local @p4 [spmem:s28], $0x2080  }
0x4c: {  	s28 =	simm.s32 @p4 $0x2  }
0x4d: {  	s26 =	sadd.s32 $0x1, s26;
	_ =	swait.ge @p4 [sflag:s28], $0x2080  }
0x4e: {  	p5 =	sne.s32 s26, s14;
	s29 =	sshll.u32 @!p4 s0, $0x6;
	[sflag:s28] =	ssyncset.done @p4 $0x0  }
0x4f: {  	[sflag:s28] =	ssyncadd.s32 @p4 $0xFFFFDF80;
	s28 =	sor.u32 @!p4 $0x1C02, s29;
	s29 =	sshrl.u32 @!p4 s7, $0x3  }
0x50: {  	[hbm:s12], [sflag:s28] =	dma.local @!p4 [spmem:s29], $0x2780  }
.Ltmp1:
0x51: {  	_ = 	snop;
	(pc) =	sbr.rel @p5 .LBB2_1-.Ltmp1, $4  }
0x52: {  	s28 =	simm.s32 @!p4 $0x2  }
0x53: {  	_ =	swait.ge @!p4 [sflag:s28], $0x2780  }
0x54: {  	[sflag:s28] =	ssyncset.done @!p4 $0x0  }
0x55: {  	[sflag:s28] =	ssyncadd.s32 @!p4 $0xFFFFD880  }
0x56: {  	_ =	sfence.sel $0x180000  }
0x57: {  	[bflag:$0x0] =	sbarrier.arrive $0xFFFF  }
0x58: {  	p0 =	sne.s32 s0, $0x0;
	_ =	strace $0x9000004D  }
0x59: {  	s0 =	sadd.s32 @!p0 $0x100000, s1;
	[bflag:$0x2] =	sbarrier.arrive $0xFFFF  }
0x5a: {  	[sflag:s0] =	ssyncadd.tile.s32 @!p0 $0x1;
	_ =	shalt  }
.Lfunc_end2:
_tile_overlayer_lowered:
.L_overlay_start_2:
0x5b: {  	(tag) =	ssettag $0x2  }
0x5c: {  	s0 =	rddreg [dreg:$0x0];
	s2 =	stileid.u32  }
0x5d: {  	s1 =	rddreg [dreg:$0x1];
	p0 =	sne.s32 s2, $0x0  }
0x5e: {  	s3 =	rddreg [dreg:$0x2];
	[bflag:$0x3] =	sbarrier.arrive $0xFFFF;
	s2 =	simm.s32 @!p0 $0x1C02  }
0x5f: {  	[timem:s3], [sflag:s2] =	dma.local @!p0 [hbm:s0], s1  }
0x60: {  	s0 =	simm.s32 @!p0 $0x2  }
0x61: {  	_ =	swait.ge @!p0 [sflag:s0], s1  }
0x62: {  	s1 =	ssub.s32 @!p0 $0x0, s1;
	[sflag:s0] =	ssyncset.done @!p0 $0x0  }
0x63: {  	[sflag:s0] =	ssyncadd.s32 @!p0 s1  }
0x64: {  	[bflag:$0x3] =	sbarrier.arrive $0xFFFF  }
0x65: {  	_ =	shalt  }

// kernel: kernel.8.cloned.1.call-start
scs
__scs_entry_jumppad:
0x0: {  	(pc) =	sbr.rel $0x88, $3  }
0x1: {  	(tag) =	ssettag $0x0;
	lr =	simm.s32 $0x1  }
0x2: {  	[smem:$0x3F9B] =	sst lr;
	_ =	strace $0xD0000000  }
0x3: {  	_ = 	snop  }
0x4: {  	_ = 	snop  }
0x5: {  	_ = 	snop  }
0x6: {  	_ = 	snop  }
0x7: {  	_ = 	snop  }
__scs_overlays_trampoline_lowered:
0x8: {  	[smem:$0x3FAA] =	sst s0  }
0x9: {  	[smem:$0x3FAB] =	sst s1  }
0xa: {  	[smem:$0x3FAC] =	sst s2  }
0xb: {  	[smem:$0x3FAD] =	sst s3  }
0xc: {  	[smem:$0x3FAE] =	sst s4  }
0xd: {  	[smem:$0x3FAF] =	sst s5  }
0xe: {  	[smem:$0x3FB0] =	sst s6  }
0xf: {  	[smem:$0x3FB1] =	sst s7  }
0x10: {  	[smem:$0x3FB2] =	sst s8  }
0x11: {  	[smem:$0x3FB3] =	sst s9;
	s0 =	simm.s32 @!p0 $0x0  }
0x12: {  	s1 =	sld [smem:$0x3F99];
	s0 =	simm.s32 @p0 $0x1  }
0x13: {  	[smem:$0x3FB4] =	sst s0;
	s0 =	simm.s32 @!p1 $0x0  }
0x14: {  	s2 =	sld [smem:$0x3F98];
	s0 =	simm.s32 @p1 $0x1  }
0x15: {  	[smem:$0x3FB5] =	sst s0;
	s0 =	simm.s32 @!p2 $0x0  }
0x16: {  	s3 =	sld [smem:$0x3FDB];
	s0 =	simm.s32 @p2 $0x1  }
0x17: {  	s4 =	simm.s32 $0x1BF5;
	[smem:$0x3FB7] =	sst s0  }
0x18: {  	s0 =	sld [smem:$0x3F9A];
	_ =	swait.ge [sflag:s4], $0x0  }
0x19: {  	s7 =	sld [smem:$0x3F9B]  }
0x1a: {  	s8 =	sadd.s32 $0xFFFFE003, lr  }
0x1b: {  	s9 =	sadd.s32 $0xFFFFFEF7, lr;
	s5 =	simm.s32 $0xFFFFFFFF;
	p2 =	slt.u32 s8, $0xFFFFF086  }
0x1c: {  	p1 =	slt.u32 s9, $0xF7A;
	s5 =	simm.s32 @!p2 $0x0  }
0x1d: {  	s5 =	simm.s32 @p1 $0x1;
	p0 =	seq.s32 s7, s2  }
0x1e: {  	s7 =	smul.u32 @!p0 $0xF7A, s2;
	p2 =	seq.s32 @!p0 s5, $0x0  }
0x1f: {  	s9 =	smul.u32 $0xF7A, s1;
	s8 =	simm.s32 @!p0 $0x1BF5;
	p2 =	por !p2, p0  }
0x20: {  	[sflag:s8] =	ssyncset.s32 @!p0 $0xFFFFF086;
	s6 =	sadd.s32 @!p0 s3, s7;
	s7 =	simm.s32 @!p0 $0x108  }
0x21: {  	s3 =	sadd.s32 s3, s9;
	s6 =	sadd.s32 @!p0 $0x88, s6;
	s7 =	simm.s32 @p2 $0x1082  }
0x22: {  	[simem:s7], [sflag:s8] =	dma.local @!p0 [hbm:s6], $0xF7A  }
0x23: {  	s9 =	sor.u32 $0xD0000000, s2;
	s6 =	simm.s32 $0x108;
	_ =	swait.ge @!p0 [sflag:s8], $0x0  }
0x24: {  	s3 =	sadd.s32 $0x88, s3;
	s6 =	simm.s32 @!p1 $0x1082;
	[sflag:s4] =	ssyncset.s32 $0xFFFFF086  }
0x25: {  	[simem:s6], [sflag:s4] =	dma.local [hbm:s3], $0xF7A  }
0x26: {  	[smem:$0x3F9B] =	sst s1;
	(tag) =	ssettag s2;
	_ =	strace s9  }
0x27: {  	s1 =	sld [smem:$0x3FAB]  }
0x28: {  	s2 =	sld [smem:$0x3FAC]  }
0x29: {  	s4 =	sld [smem:$0x3FAE]  }
0x2a: {  	p0 =	seq.s32 s5, $0x0;
	s5 =	sld [smem:$0x3FAF]  }
0x2b: {  	s6 =	sld [smem:$0x3FB0]  }
0x2c: {  	s7 =	sld [smem:$0x3FB1]  }
0x2d: {  	s3 =	simm.s32 $0x108;
	s8 =	sld [smem:$0x3FB2]  }
0x2e: {  	s3 =	simm.s32 @!p0 $0x1082;
	s9 =	sld [smem:$0x3FB3]  }
0x2f: {  	lr =	sadd.s32 s0, s3;
	s0 =	sld [smem:$0x3FAA]  }
0x30: {  	s3 =	sld [smem:$0x3FAD]  }
0x31: {  	[smem:$0x3FB6] =	sst s10  }
0x32: {  	s10 =	sld [smem:$0x3FB4];
	_ =	sdelay $0x3  }
0x33: {  	p0 =	seq.s32 s10, $0x1;
	s10 =	sld [smem:$0x3FB6];
	_ =	sdelay $0x3  }
0x34: {  	[smem:$0x3FB6] =	sst s10  }
0x35: {  	s10 =	sld [smem:$0x3FB5];
	_ =	sdelay $0x3  }
0x36: {  	p1 =	seq.s32 s10, $0x1;
	s10 =	sld [smem:$0x3FB6];
	_ =	sdelay $0x3  }
0x37: {  	[smem:$0x3FB6] =	sst s10  }
0x38: {  	s10 =	sld [smem:$0x3FB7]  }
0x39: {  	_ = 	snop;
	(pc) =	sbr.ind lr, $3  }
0x3a: {  	_ = 	snop  }
0x3b: {  	_ = 	snop  }
0x3c: {  	p2 =	seq.s32 s10, $0x1;
	s10 =	sld [smem:$0x3FB6]  }
0x3d: {  	_ =	shalt  }
0x3e: {  	_ =	shalt  }
0x3f: {  	_ =	shalt  }
0x40: {  	_ =	shalt  }
0x41: {  	_ =	shalt  }
0x42: {  	_ =	shalt  }
0x43: {  	_ =	shalt  }
0x44: {  	_ =	shalt  }
0x45: {  	_ =	shalt  }
0x46: {  	_ =	shalt  }
0x47: {  	_ =	shalt  }
0x48: {  	_ =	shalt  }
0x49: {  	_ =	shalt  }
0x4a: {  	_ =	shalt  }
0x4b: {  	_ =	shalt  }
0x4c: {  	_ =	shalt  }
0x4d: {  	_ =	shalt  }
0x4e: {  	_ =	shalt  }
0x4f: {  	_ =	shalt  }
0x50: {  	_ =	shalt  }
0x51: {  	_ =	shalt  }
0x52: {  	_ =	shalt  }
0x53: {  	_ =	shalt  }
0x54: {  	_ =	shalt  }
0x55: {  	_ =	shalt  }
0x56: {  	_ =	shalt  }
0x57: {  	_ =	shalt  }
0x58: {  	_ =	shalt  }
0x59: {  	_ =	shalt  }
0x5a: {  	_ =	shalt  }
0x5b: {  	_ =	shalt  }
0x5c: {  	_ =	shalt  }
0x5d: {  	_ =	shalt  }
0x5e: {  	_ =	shalt  }
0x5f: {  	_ =	shalt  }
0x60: {  	_ =	shalt  }
0x61: {  	_ =	shalt  }
0x62: {  	_ =	shalt  }
0x63: {  	_ =	shalt  }
0x64: {  	_ =	shalt  }
0x65: {  	_ =	shalt  }
0x66: {  	_ =	shalt  }
0x67: {  	_ =	shalt  }
0x68: {  	_ =	shalt  }
0x69: {  	_ =	shalt  }
0x6a: {  	_ =	shalt  }
0x6b: {  	_ =	shalt  }
0x6c: {  	_ =	shalt  }
0x6d: {  	_ =	shalt  }
0x6e: {  	_ =	shalt  }
0x6f: {  	_ =	shalt  }
0x70: {  	_ =	shalt  }
0x71: {  	_ =	shalt  }
0x72: {  	_ =	shalt  }
0x73: {  	_ =	shalt  }
0x74: {  	_ =	shalt  }
0x75: {  	_ =	shalt  }
0x76: {  	_ =	shalt  }
0x77: {  	_ =	shalt  }
0x78: {  	_ =	shalt  }
0x79: {  	_ =	shalt  }
0x7a: {  	_ =	shalt  }
0x7b: {  	_ =	shalt  }
0x7c: {  	_ =	shalt  }
0x7d: {  	_ =	shalt  }
0x7e: {  	_ =	shalt  }
0x7f: {  	_ =	shalt  }
0x80: {  	_ =	shalt  }
0x81: {  	_ =	shalt  }
0x82: {  	_ =	shalt  }
0x83: {  	_ =	shalt  }
0x84: {  	_ =	shalt  }
0x85: {  	_ =	shalt  }
0x86: {  	_ =	shalt  }
0x87: {  	_ =	shalt  }
.Lfunc_end0:
.L_simem_size_0:
called_computation_lowered:
.L_overlay_start_0:
0x88: {  	s2 =	sld [smem:$0x3FD9]  }
0x89: {  	s3 =	sld [smem:$0x3FFE];
	_ =	sdelay $0x1  }
0x8a: {  	s1 =	srdreg.scid  }
0x8b: {  	s0 =	sand.u32 $0x1, s1  }
0x8c: {  	s16 =	sshll.u32 s0, $0xA;
	s2 =	sadd.s32 s3, s2  }
0x8d: {  	s2 =	sadd.s32 s2, s16  }
0x8e: {  	[smem:$0x3FC2] =	sst s2  }
0x8f: {  	_ = 	snop  }
0x90: {  	(tm) =	ssettm $0x1  }
0x91: {  	s17 =	sld [smem:$0x3FFB];
	_ =	sdelay $0x3  }
0x92: {  	_ =	strace s17  }
0x93: {  	s2 =	sld [smem:$0x3FFC];
	_ =	sdelay $0x3  }
0x94: {  	_ =	strace s2  }
0x95: {  	s2 =	sld [smem:$0x3FFD];
	_ =	sdelay $0x3  }
0x96: {  	_ =	strace s2  }
0x97: {  	_ =	strace $0x8FFFFFFF  }
0x98: {  	s18 =	sld [smem:$0x3FDB];
	_ =	sdelay $0x1  }
0x99: {  	s19 =	simm.s32 $_scs_section_size  }
0x9a: {  	s4 =	simm.s32 $_size__tile_overlayer_lowered;
	s5 =	simm.s32 $_tile_overlayer_lowered  }
0x9b: {  	s22 =	simm.s32 $0x1BFF;
	s21 =	sshll.u32 s5, $0x1;
	s2 =	sadd.s32 s19, s18  }
0x9c: {  	s6 =	simm.s32 $0x0;
	s20 =	sshll.u32 s4, $0x1;
	s4 =	sadd.s32 s21, s2  }
0x9d: {  	[timem:s6], [sflag:s22] =	dma.local [hbm:s4], s20  }
0x9e: {  	_ =	swait.ge [sflag:s22], s20  }
0x9f: {  	s3 =	ssub.s32 $0x0, s20;
	[sflag:s22] =	ssyncset.done $0x0  }
0xa0: {  	[sflag:s22] =	ssyncadd.s32 s3;
	_ =	sdelay $0x1  }
0xa1: {  	s23 =	simm.s32 $0x1B8B  }
0xa2: {  	_ =	swait.ge [sflag:s23], $0x1  }
0xa3: {  	[sflag:s23] =	ssyncset.done $0x0  }
0xa4: {  	s25 =	simm.s32 $0x1B8E;
	s24 =	sld [smem:$0x3FFE];
	[sflag:s23] =	ssyncadd.s32 $0xFFFFFFFF  }
0xa5: {  	s26 =	simm.s32 $execute0_lowered;
	[smem:$0x3FD2] =	sst s25  }
0xa6: {  	s4 =	sshll.u32 s26, $0x1;
	_ =	strace $0x80000046;
	[dreg:$0x1] =	wrdreg $0xFFFFFFFF  }
0xa7: {  	s28 =	simm.s32 $_size_execute0_lowered;
	s2 =	sadd.s32 s2, s4;
	[dreg:$0x0] =	wrdreg $0x0  }
0xa8: {  	s4 =	sshll.u32 s28, $0x1;
	[dreg:$0x2] =	wrdreg s2  }
0xa9: {  	[dreg:$0x3] =	wrdreg s4  }
0xaa: {  	[dreg:$0x4] =	wrdreg $0xC0  }
0xab: {  	_ =	task [dreg:s6], $0x5FFFF  }
0xac: {  	[dreg:$0x1] =	wrdreg $0xFFFFFFFF  }
0xad: {  	[dreg:$0x0] =	wrdreg $0x60  }
0xae: {  	[dreg:$0x2] =	wrdreg s24  }
0xaf: {  	[dreg:$0x3] =	wrdreg $0x54000  }
0xb0: {  	[dreg:$0x4] =	wrdreg $0x9  }
0xb1: {  	_ =	task.clear_ibuf [dreg:s6], $0x5FFFF;
	_ =	strace $0x90000046  }
0xb2: {  	s29 =	simm.s32 $0x9;
	_ =	strace $0x80000048  }
0xb3: {  	_ =	swait.ge [sflag:s29], $0x1  }
0xb4: {  	[sflag:s29] =	ssyncadd.s32 $0xFFFFFFFF  }
0xb5: {  	_ =	strace $0x90000048  }
0xb6: {  	_ =	sfence  }
0xb7: {  	s30 =	sld [smem:$0x0];
	_ =	sdelay $0x2  }
0xb8: {  	s31 =	sshll.u32 s1, $0xD;
	s1 =	sshrl.u32 s1, $0x2  }
0xb9: {  	s3 =	sand.u32 $0x4000, s31;
	s1 =	sadd.s32 s1, s30  }
0xba: {  	s0 =	sor.u32 s3, s0;
	s1 =	sshll.u32 s1, $0x11  }
0xbb: {  	s0 =	sor.u32 s1, s0  }
0xbc: {  	s0 =	sadd.s32 $0x8F2B, s0  }
0xbd: {  	[sflag:s0] =	ssyncadd.remote.s32 $0x1  }
0xbe: {  	_ =	sfence.sel $0xFFFF  }
0xbf: {  	[dreg:$0x0] =	wrdreg $0xFFFFFFFF;
	(pc) =	sbr.abs _section_cstart, $3  }
0xc0: {  	[dreg:$0x1] =	wrdreg $0xFFFFFFFF  }
0xc1: {  	_ =	task.clear_ibuf [dreg:s6], $0x2FFFF;
	_ =	strace $0x9FFFFFFF  }
0xc2: {  	(tm) =	ssettm $0x7FFFFFFF  }
0xc3: {  	_ =	shalt  }
tec
execute0_lowered:
.L_overlay_start_1:
0x0: {  	(tag) =	ssettag $0x1  }
0x1: {  	s1 =	srdreg.scid  }
0x2: {  	s0 =	stileid.u32;
	s7 =	rddreg [dreg:$0x0]  }
0x3: {  	s2 =	rddreg [dreg:$0x1];
	s3 =	simm.s32 $0x0;
	s17 =	simm.s32 $0x0  }
0x4: {  	s5 =	sand.u32 $0x1, s1;
	s1 =	rddreg [dreg:$0x2];
	s6 =	smul.u32 $0x2780, s0  }
0x5: {  	s26 =	sshll.u32 s0, $0x1;
	[smem:$0x7FF] =	sst s3;
	s10 =	smul.u32 $0x4F000, s0  }
0x6: {  	s11 =	sadd.s32 $0x2E200, s7;
	s29 =	smul.u32 $0x13C00, s0;
	s14 =	sadd.s32 $0x128400, s2  }
0x7: {  	p0 =	seq.s32 s0, $0xF;
	s4 =	sor.u32 s5, s26;
	_ =	strace $0x80000047  }
0x8: {  	s9 =	ssub.s32 $0x2, s5;
	s13 =	smul.u32 $0x138800, s5;
	s16 =	sshll.u32 @!p0 s0, $0x6  }
0x9: {  	s4 =	smul.u32 $0x280, s4;
	s12 =	sshrl.u32 s9, $0x1;
	s28 =	sshrl.u32 s10, $0x2  }
0xa: {  	s6 =	sadd.s32 s6, s7;
	s12 =	ssub.s32 s9, s12;
	s15 =	sadd.s32 s28, s2  }
0xb: {  	s6 =	sadd.s32 $0x6800, s6;
	s30 =	sadd.s32 s29, s13;
	s31 =	sshrl.u32 s13, $0x3  }
0xc: {  	s13 =	sshrl.u32 @p0 s14, $0x3;
	s14 =	sor.u32 @!p0 $0x1C01, s16;
	s16 =	simm.s32 $0x80  }
0xd: {  	s8 =	sadd.s32 s4, s7;
	s4 =	sadd.s32 $0x2DA00, s7;
	s7 =	sadd.s32 $0x2B880, s7  }
0xe: {  	s9 =	sadd.s32 s11, s31;
	s10 =	smax.u32 s12, $0x1;
	s12 =	simm.s32 $0x1400  }
0xf: {  	s15 =	sshrl.u32 @!p0 s15, $0x3;
	s5 =	sadd.s32 $0x1800, s8;
	s8 =	sshrl.u32 s30, $0x3  }
0x10: {  	s9 =	sadd.s32 $0x25080, s9;
	s8 =	sadd.s32 s11, s8;
	s11 =	simm.s32 $0x1  }
.LBB2_1:
0x11: {  	[tilespmem:s3], [sflag:$0x1] =	stream.linear.gather [hbm4b:s5+s3], $0x1400, $0x38;
	[tilespmem:$0x19000] =	vst v63  }
0x12: {  	_ =	swait.ge [sflag:s11], $0x1400  }
0x13: {  	[sflag:s11] =	ssyncset.done $0x0  }
0x14: {  	[sflag:s11] =	ssyncadd.s32 $0xFFFFEC00  }
0x15: {  	[tilespmem:s12], [sflag:$0x1] =	stream.linear.gather [hbm4b:s4+s3], $0x4000, $0x38;
	[tilespmem:$0x19000] =	vst v63  }
0x16: {  	_ =	swait.ge [sflag:s11], $0x4000  }
0x17: {  	[sflag:s11] =	ssyncset.done $0x0  }
0x18: {  	s18 =	simm.s32 @p0 $0x1FC1;
	[sflag:s11] =	ssyncadd.s32 $0xFFFFC000  }
0x19: {  	[spmem:s13], [sflag:s18] =	dma.local @p0 [hbm:s7], $0x2080  }
0x1a: {  	s18 =	simm.s32 @p0 $0x1  }
0x1b: {  	_ =	swait.ge @p0 [sflag:s18], $0x2080  }
0x1c: {  	[sflag:s18] =	ssyncset.done @p0 $0x0  }
0x1d: {  	[sflag:s18] =	ssyncadd.s32 @p0 $0xFFFFDF80;
	s18 =	simm.s32 @!p0 $0x1  }
0x1e: {  	[spmem:s15], [sflag:s14] =	dma.local @!p0 [hbm:s6], $0x2780  }
0x1f: {  	_ =	swait.ge @!p0 [sflag:s18], $0x2780  }
0x20: {  	[sflag:s18] =	ssyncset.done @!p0 $0x0  }
0x21: {  	[sflag:s18] =	ssyncadd.s32 @!p0 $0xFFFFD880  }
0x22: {  	s31 =	simm.s32 $0x0;
	[bflag:$0x0] =	sbarrier.arrive $0xFFFF  }
0x23: {  	[spmem:s2] =	stream.indirect.scatter.add.f32 [tilespmem:s12], [sflag:$0x1], $0x80, s31, s16, $0xb8;
	[tilespmem:$0x19000] =	vst v63  }
0x24: {  	_ =	swait.ge [sflag:s11], $0x4000  }
0x25: {  	s18 =	simm.s32 $0x200;
	[sflag:s11] =	ssyncset.done $0x0  }
.LBB2_2:
0x26: {  	s19 =	sshra.s32 s18, $0x2;
	[sflag:s11] =	ssyncadd.s32 $0xFFFFC000;
	p1 =	sne.s32 s18, $0x4E00  }
0x27: {  	[spmem:s2] =	stream.indirect.scatter.add.f32 [tilespmem:s12], [sflag:$0x1], $0x80, s19, s16, $0xb8;
	[tilespmem:$0x19000] =	vst v63  }
.Ltmp0:
0x28: {  	_ = 	snop;
	(pc) =	sbr.rel @p1 .LBB2_2-.Ltmp0, $4  }
0x29: {  	_ = 	snop  }
0x2a: {  	s18 =	sadd.s32 $0x200, s18  }
0x2b: {  	_ =	swait.ge [sflag:s11], $0x4000  }
0x2c: {  	[sflag:s11] =	ssyncset.done $0x0  }
0x2d: {  	[sflag:s11] =	ssyncadd.s32 $0xFFFFC000  }
0x2e: {  	s18 =	simm.s32 @p0 $0x1FC1;
	[bflag:$0x0] =	sbarrier.arrive $0xFFFF  }
0x2f: {  	[hbm:s9], [sflag:s18] =	dma.local @p0 [spmem:s13], $0x2080  }
0x30: {  	s18 =	simm.s32 @p0 $0x1  }
0x31: {  	s17 =	sadd.s32 $0x1, s17;
	_ =	swait.ge @p0 [sflag:s18], $0x2080  }
0x32: {  	p1 =	sne.s32 s17, s10;
	[sflag:s18] =	ssyncset.done @p0 $0x0  }
.Ltmp1:
0x33: {  	[sflag:s18] =	ssyncadd.s32 @p0 $0xFFFFDF80;
	s18 =	simm.s32 @!p0 $0x1;
	(pc) =	sbr.rel @p1 .LBB2_1-.Ltmp1, $4  }
0x34: {  	[hbm:s8], [sflag:s14] =	dma.local @!p0 [spmem:s15], $0x2780  }
0x35: {  	_ =	swait.ge @!p0 [sflag:s18], $0x2780  }
0x36: {  	[sflag:s18] =	ssyncset.done @!p0 $0x0  }
0x37: {  	[sflag:s18] =	ssyncadd.s32 @!p0 $0xFFFFD880  }
0x38: {  	_ =	sfence.sel $0x180000  }
0x39: {  	[bflag:$0x0] =	sbarrier.arrive $0xFFFF  }
0x3a: {  	p0 =	sne.s32 s0, $0x0;
	_ =	strace $0x90000047  }
0x3b: {  	s0 =	sadd.s32 @!p0 $0x100000, s1;
	[bflag:$0x2] =	sbarrier.arrive $0xFFFF  }
0x3c: {  	[sflag:s0] =	ssyncadd.tile.s32 @!p0 $0x1;
	_ =	shalt  }
.Lfunc_end2:
_tile_overlayer_lowered:
.L_overlay_start_2:
0x3d: {  	(tag) =	ssettag $0x2  }
0x3e: {  	s0 =	rddreg [dreg:$0x0];
	s2 =	stileid.u32  }
0x3f: {  	s1 =	rddreg [dreg:$0x1];
	p0 =	sne.s32 s2, $0x0  }
0x40: {  	s3 =	rddreg [dreg:$0x2];
	[bflag:$0x3] =	sbarrier.arrive $0xFFFF;
	s2 =	simm.s32 @!p0 $0x1C01  }
0x41: {  	[timem:s3], [sflag:s2] =	dma.local @!p0 [hbm:s0], s1  }
0x42: {  	s0 =	simm.s32 @!p0 $0x1  }
0x43: {  	_ =	swait.ge @!p0 [sflag:s0], s1  }
0x44: {  	s1 =	ssub.s32 @!p0 $0x0, s1;
	[sflag:s0] =	ssyncset.done @!p0 $0x0  }
0x45: {  	[sflag:s0] =	ssyncadd.s32 @!p0 s1  }
0x46: {  	[bflag:$0x3] =	sbarrier.arrive $0xFFFF  }
0x47: {  	_ =	shalt  }

</sc_bundles>
